<compile_context>
chip_gen: v7x
topology: tpu7x:2x2x1
jax: 0.10.2.dev20260603
libtpu: 0.0.44.dev20260713+nightly
codegen_flags: <defaults>
</compile_context>

<pallas_src>
import jax
import jax.numpy as jnp
from jax import lax
from jax.experimental import pallas as pl
from jax.experimental.pallas import tpu as pltpu
from jax.experimental.pallas import tpu_sc as plsc

B = 64
D = 2048
S = 64
R = 32
N = D * S
C = 8192
K = C // S
G = N // C
TEMP = 2.0
NEG = -1.0e9
HI = jax.lax.Precision.HIGHEST
LO = jax.lax.Precision.DEFAULT

_f32 = jnp.float32
_i32 = jnp.int32


def _p1_body(x_ref, w_ref, e_ref, idx_ref, h_ref, hacc):
    i = pl.program_id(0)

    @pl.when(i == 0)
    def _():
        hacc[...] = jnp.zeros_like(hacc)

    x3 = x_ref[...]
    sio3 = lax.broadcasted_iota(_i32, (B, K, S), 2).astype(_f32)
    idxk = jnp.sum(x3 * sio3, axis=2)
    idx_ref[...] = idxk.astype(_i32)
    idxe = lax.dot_general(idxk, e_ref[...], (((1,), (0,)), ((), ())),
                           precision=LO)
    smod = (lax.broadcasted_iota(_i32, (B, C), 1) % S).astype(_f32)
    oneh = jnp.where(idxe == smod, 1.0, 0.0)
    hacc[...] += lax.dot_general(oneh, w_ref[...], (((1,), (0,)), ((), ())),
                                 precision=HI)

    @pl.when(i == G - 1)
    def _():
        h_ref[...] = hacc[...]



_U32 = jnp.uint32
_R0 = (13, 15, 26, 6)
_R1 = (17, 29, 16, 24)


def _gumbel_chunk(k0, k1, base):
    ks2 = k0 ^ k1 ^ _U32(0x1BD11BDA)
    p = (lax.broadcasted_iota(_i32, (B, C), 0) * N
         + lax.broadcasted_iota(_i32, (B, C), 1) + base).astype(_U32)
    x0 = jnp.broadcast_to(k0, (B, C))
    x1 = p + k1

    def rnds(x0, x1, rs):
        for r in rs:
            x0 = x0 + x1
            x1 = (x1 << _U32(r)) | (x1 >> _U32(32 - r))
            x1 = x1 ^ x0
        return x0, x1

    x0, x1 = rnds(x0, x1, _R0)
    x0 = x0 + k1
    x1 = x1 + (ks2 + _U32(1))
    x0, x1 = rnds(x0, x1, _R1)
    x0 = x0 + ks2
    x1 = x1 + (k0 + _U32(2))
    x0, x1 = rnds(x0, x1, _R0)
    x0 = x0 + k0
    x1 = x1 + (k1 + _U32(3))
    x0, x1 = rnds(x0, x1, _R1)
    x0 = x0 + k1
    x1 = x1 + (ks2 + _U32(4))
    x0, x1 = rnds(x0, x1, _R0)
    x0 = x0 + ks2
    x1 = x1 + (k0 + _U32(5))
    bits = x0 ^ x1
    tiny = jnp.float32(jnp.finfo(jnp.float32).tiny)
    ub = lax.bitcast_convert_type((bits >> _U32(9)) | _U32(0x3F800000),
                                  _f32) - 1.0
    val = jnp.maximum(tiny, ub * (1.0 - tiny) + tiny)
    return -jnp.log(-jnp.log(val))


def _pf_body(w_ref, b_ref, kd_ref, idx_ref, h_ref, e_ref, et_ref,
             sel_ref, oldf_ref, flp_ref,
             mrun, arun, lrun, lmax, lsum):
    i = pl.program_id(0)

    @pl.when(i == 0)
    def _():
        mrun[...] = jnp.full_like(mrun, -3e38)
        arun[...] = jnp.zeros_like(arun)
        lrun[...] = jnp.zeros_like(lrun)
        lmax[...] = jnp.full_like(lmax, -3e38)
        lsum[...] = jnp.zeros_like(lsum)

    w = w_ref[...]
    h = h_ref[...]
    bb = b_ref[...].reshape(1, C)
    gx = bb - lax.dot_general(h, w, (((1,), (1,)), ((), ())),
                              precision=HI)
    idxk = idx_ref[:, pl.ds(i * K, K)].astype(_f32)
    idxe = lax.dot_general(idxk, e_ref[...], (((1,), (0,)), ((), ())),
                           precision=LO)
    jio = lax.broadcasted_iota(_i32, (B, C), 1)
    oneh = idxe == (jio % S).astype(_f32)
    t2 = jnp.where(oneh, gx, 0.0)
    curg = lax.dot_general(t2, et_ref[...], (((1,), (0,)), ((), ())),
                           precision=LO)
    cur2 = lax.dot_general(curg, e_ref[...], (((1,), (0,)), ((), ())),
                           precision=LO)
    lg = jnp.where(oneh, NEG, (gx - cur2) * (1.0 / TEMP))
    k0 = kd_ref[0:1, 0:1]
    k1 = kd_ref[0:1, 1:2]
    pert = lg + _gumbel_chunk(k0, k1, i * C)
    pmax = jnp.max(pert, axis=1, keepdims=True)
    parg = jnp.min(jnp.where(pert == pmax, jio, 2 ** 30), axis=1,
                   keepdims=True)
    lat = jnp.sum(jnp.where(jio == parg, lg, 0.0), axis=1, keepdims=True)
    upd = pmax > mrun[...]
    arun[...] = jnp.where(upd, parg + i * C, arun[...])
    lrun[...] = jnp.where(upd, lat, lrun[...])
    mrun[...] = jnp.where(upd, pmax, mrun[...])
    cmax = jnp.max(lg, axis=1, keepdims=True)
    nmax = jnp.maximum(lmax[...], cmax)
    lsum[...] = (lsum[...] * jnp.exp(lmax[...] - nmax)
                 + jnp.sum(jnp.exp(lg - nmax), axis=1, keepdims=True))
    lmax[...] = nmax

    @pl.when(i == G - 1)
    def _():
        sel = arun[...]
        lse = lmax[...] + jnp.log(lsum[...])
        flp_ref[...] = lrun[...] - lse
        dsel = sel // S
        dio = lax.broadcasted_iota(_i32, (B, D), 1)
        oldst = jnp.sum(jnp.where(dio == dsel, idx_ref[...], 0), axis=1,
                        keepdims=True)
        sel_ref[...] = sel
        oldf_ref[...] = dsel * S + oldst



def _scx_body(wr_hbm, br_hbm, idx_hbm, bidx_hbm, outw_hbm, outb_hbm,
              idx_v, bidx_v, rows_v, brows_v, sem):
    wid = lax.axis_index("s") * 2 + lax.axis_index("c")

    @pl.when(wid == 0)
    def _():
        pltpu.sync_copy(idx_hbm, idx_v)
        pltpu.async_copy(wr_hbm.at[idx_v], rows_v, sem).wait()
        pltpu.sync_copy(rows_v, outw_hbm)
        pltpu.sync_copy(bidx_hbm, bidx_v)
        pltpu.async_copy(br_hbm.at[bidx_v], brows_v, sem).wait()
        pltpu.sync_copy(brows_v, outb_hbm)


def _sc_gather(Wr, br, idxq, bidx):
    return pl.kernel(
        _scx_body,
        out_type=(jax.ShapeDtypeStruct((2 * B, 128), _f32),
                  jax.ShapeDtypeStruct((2 * B, 128), _f32)),
        mesh=plsc.VectorSubcoreMesh(core_axis_name="c", subcore_axis_name="s"),
        scratch_types=[
            pltpu.VMEM((2 * B,), _i32),
            pltpu.VMEM((2 * B,), _i32),
            pltpu.VMEM((2 * B, 128), _f32),
            pltpu.VMEM((2 * B, 128), _f32),
            pltpu.SemaphoreType.DMA,
        ],
    )(Wr, br, idxq, bidx)


def _pr_body(w_ref, b_ref, idx_ref, rows_ref, brows_ref, h_ref, sel_ref,
             oldf_ref, flp_ref, u_ref, e_ref, et_ref,
             acc_ref, lmax, lsum, rat, hrevs):
    i = pl.program_id(0)

    @pl.when(i == 0)
    def _():
        lmax[...] = jnp.full_like(lmax, -3e38)
        lsum[...] = jnp.zeros_like(lsum)
        rat[...] = jnp.zeros_like(rat)
        off_o = oldf_ref[...] % 4
        off_n = sel_ref[...] % 4
        wold = jnp.zeros((B, R), _f32)
        wnew = jnp.zeros((B, R), _f32)
        for kq in range(4):
            seg = rows_ref[:, kq * R:(kq + 1) * R]
            wold = jnp.where(off_o == kq, seg[:B], wold)
            wnew = jnp.where(off_n == kq, seg[B:], wnew)
        hrevs[...] = h_ref[...] - wold + wnew

    jio = lax.broadcasted_iota(_i32, (B, C), 1)
    jf = jio + i * C
    sel = sel_ref[...]
    oldf = oldf_ref[...]
    idxk = idx_ref[:, pl.ds(i * K, K)].astype(_f32)
    idxe = lax.dot_general(idxk, e_ref[...], (((1,), (0,)), ((), ())),
                           precision=LO)
    oneh = idxe == (jio % S).astype(_f32)
    xpb = (jf != oldf) & (oneh | (jf == sel))
    w = w_ref[...]
    bb = b_ref[...].reshape(1, C)
    gxr = bb - lax.dot_general(hrevs[...], w,
                               (((1,), (1,)), ((), ())), precision=HI)
    t2 = jnp.where(xpb, gxr, 0.0)
    curg = lax.dot_general(t2, et_ref[...], (((1,), (0,)), ((), ())),
                           precision=LO)
    cur2 = lax.dot_general(curg, e_ref[...], (((1,), (0,)), ((), ())),
                           precision=LO)
    rl = jnp.where(xpb, NEG, (gxr - cur2) * (1.0 / TEMP))
    rat[...] += jnp.sum(jnp.where(jf == oldf, rl, 0.0), axis=1, keepdims=True)
    cmax = jnp.max(rl, axis=1, keepdims=True)
    nmax = jnp.maximum(lmax[...], cmax)
    lsum[...] = (lsum[...] * jnp.exp(lmax[...] - nmax)
                 + jnp.sum(jnp.exp(rl - nmax), axis=1, keepdims=True))
    lmax[...] = nmax

    @pl.when(i == G - 1)
    def _():
        h = h_ref[...]
        hrev = hrevs[...]
        lio = lax.broadcasted_iota(_i32, (B, 128), 1)
        bo = jnp.sum(jnp.where(lio == oldf_ref[...] % 128,
                               brows_ref[:B, :], 0.0), axis=1, keepdims=True)
        bn = jnp.sum(jnp.where(lio == sel_ref[...] % 128,
                               brows_ref[B:, :], 0.0), axis=1, keepdims=True)
        mterm = (-0.5 * (jnp.sum(hrev * hrev, axis=1, keepdims=True)
                         - jnp.sum(h * h, axis=1, keepdims=True))
                 + (bn - bo))
        rlse = lmax[...] + jnp.log(lsum[...])
        la = mterm + (rat[...] - rlse) - flp_ref[...]
        acc_ref[...] = (jnp.exp(la) > u_ref[...]).astype(_f32)


def _po_body(idx_ref, sel_ref, acc_ref, out_ref):
    i = pl.program_id(0)
    sel = sel_ref[...]
    dsel = sel // S
    snew = sel % S
    accb = acc_ref[...] > 0.5
    dd = lax.broadcasted_iota(_i32, (B, K), 1) + i * K
    fing = jnp.where((dd == dsel) & accb, snew, idx_ref[...])
    s3 = lax.broadcasted_iota(_i32, (B, K, S), 2)
    out_ref[...] = (s3 == fing[:, :, None]).astype(_f32)


def _small(shape, dtype):
    return jax.ShapeDtypeStruct(shape, dtype)


@jax.jit
def kernel(x, W, b):
    kg, ku = jax.random.split(jax.random.key(1))
    kd = jax.random.key_data(kg).astype(jnp.uint32).reshape(1, 2)
    u = jax.random.uniform(ku, (B,), dtype=_f32).reshape(B, 1)

    b3 = b.reshape(G, 1, C)
    kio = lax.broadcasted_iota(_i32, (K, C), 0)
    gio = lax.broadcasted_iota(_i32, (K, C), 1) // S
    e_mat = (kio == gio).astype(_f32)
    et_mat = e_mat.T

    arb = dict(compiler_params=pltpu.CompilerParams(
        dimension_semantics=("arbitrary",)))

    x3_spec = pl.BlockSpec((B, K, S), lambda i: (0, i, 0))
    w_spec = pl.BlockSpec((C, R), lambda i: (i, 0))
    b_spec = pl.BlockSpec((1, 1, C), lambda i: (i, 0, 0))
    kd_spec = pl.BlockSpec((1, 2), lambda i: (0, 0))
    e_spec = pl.BlockSpec((K, C), lambda i: (0, 0))
    et_spec = pl.BlockSpec((C, K), lambda i: (0, 0))
    sm_f = pl.BlockSpec((B, 1), lambda i: (0, 0))
    hm_spec = pl.BlockSpec((B, R), lambda i: (0, 0))
    idxg_spec = pl.BlockSpec((B, K), lambda i: (0, i))
    idxf_spec = pl.BlockSpec((B, D), lambda i: (0, 0))

    idx, h = pl.pallas_call(
        _p1_body,
        grid=(G,),
        in_specs=[x3_spec, w_spec, e_spec],
        out_specs=[idxg_spec, hm_spec],
        out_shape=[_small((B, D), _i32), _small((B, R), _f32)],
        scratch_shapes=[pltpu.VMEM((B, R), _f32)],
        **arb,
    )(x, W, e_mat)

    sel, oldf, flp = pl.pallas_call(
        _pf_body,
        grid=(G,),
        in_specs=[w_spec, b_spec, kd_spec, idxf_spec, hm_spec,
                  e_spec, et_spec],
        out_specs=[sm_f, sm_f, sm_f],
        out_shape=[_small((B, 1), _i32), _small((B, 1), _i32),
                   _small((B, 1), _f32)],
        scratch_shapes=[pltpu.VMEM((B, 1), _f32), pltpu.VMEM((B, 1), _i32),
                        pltpu.VMEM((B, 1), _f32), pltpu.VMEM((B, 1), _f32),
                        pltpu.VMEM((B, 1), _f32)],
        **arb,
    )(W, b3, kd, idx, h, e_mat, et_mat)

    idxcat = jnp.concatenate([oldf[:, 0], sel[:, 0]], axis=0)
    rows, brows = _sc_gather(W.reshape(N // 4, 128), b.reshape(N // 128, 128),
                             idxcat // 4, idxcat // 128)

    (acc,) = pl.pallas_call(
        _pr_body,
        grid=(G,),
        in_specs=[w_spec, b_spec, idxf_spec,
                  pl.BlockSpec((2 * B, 128), lambda i: (0, 0)),
                  pl.BlockSpec((2 * B, 128), lambda i: (0, 0)), hm_spec,
                  sm_f, sm_f, sm_f, sm_f, e_spec, et_spec],
        out_specs=[sm_f],
        out_shape=[_small((B, 1), _f32)],
        scratch_shapes=[pltpu.VMEM((B, 1), _f32), pltpu.VMEM((B, 1), _f32),
                        pltpu.VMEM((B, 1), _f32), pltpu.VMEM((B, R), _f32)],
        **arb,
    )(W, b3, idx, rows, brows, h, sel, oldf, flp, u, e_mat, et_mat)

    x_new = pl.pallas_call(
        _po_body,
        grid=(G,),
        in_specs=[idxg_spec, sm_f, sm_f],
        out_specs=[pl.BlockSpec((B, K, S), lambda i: (0, i, 0))],
        out_shape=[_small((B, D, S), _f32)],
        **arb,
    )(idx, sel, acc)[0]

    return x_new

# --- scband reference (transcript-rebuilt; emitter-appended) ---
"""Pipeline reference for scband-categorical-gwgsampler-46926812676972 (READ-ONLY COPY).

The authoritative reference and input builder live on the scoring server;
editing this copy changes nothing except your own understanding.
"""

import jax, jax.numpy as jnp
import numpy as np

B, D, S, R = 64, 2048, 64, 32
TEMP = 2.0


def _model_logp(x, W, b):
    # quadratic Potts-style energy model: logp(x) = -0.5||x_flat W||^2 + x_flat . b
    xf = x.reshape(x.shape[0], -1)
    h = xf @ W
    return -0.5 * jnp.sum(h * h, axis=-1) + xf @ b


def setup_inputs(seed: int = 0):
    key = jax.random.key(seed)
    k1, k2, k3 = jax.random.split(key, 3)
    idx = jax.random.randint(k1, (B, D), 0, S)
    x = jax.nn.one_hot(idx, S, dtype=jnp.float32)
    W = jax.random.normal(k2, (D * S, R), dtype=jnp.float32) * 0.01
    b = jax.random.normal(k3, (D * S,), dtype=jnp.float32) * 0.1
    return {"x": x, "W": W, "b": b}


def reference(x, W, b):
    # CategoricalGWGSampler.step with approx=True, temp=TEMP, first step (cache empty)
    temp = TEMP

    def model(xx):
        return _model_logp(xx, W, b)

    def diff_fn(xx):
        # approx_difference_function_multi_dim / temp
        gx = jax.grad(lambda t: model(t).sum())(xx)
        gx_cur = jnp.sum(gx * xx, axis=-1, keepdims=True)
        return (gx - gx_cur) / temp

    logp = model(x)
    forward_logits = diff_fn(x) - 1.0e9 * x
    flat_forward_logits = forward_logits.reshape(x.shape[0], -1)

    key = jax.random.key(1)
    kg, ku = jax.random.split(key)
    # OneHotCategorical.sample via gumbel-argmax
    gumbel = jax.random.gumbel(kg, flat_forward_logits.shape, dtype=jnp.float32)
    sel = jnp.argmax(flat_forward_logits + gumbel, axis=-1)
    changes = jax.nn.one_hot(sel, flat_forward_logits.shape[1], dtype=x.dtype)
    fwd_proposal_logp = jnp.sum(jax.nn.log_softmax(flat_forward_logits, axis=-1) * changes, axis=-1)

    changes_r = changes.reshape(x.shape)
    changed_ind = changes_r.sum(-1)
    x_prop = x * (1.0 - changed_ind[:, :, None]) + changes_r

    logp_rev = model(x_prop)
    reverse_logits = diff_fn(x_prop) - 1.0e9 * x_prop
    flat_reverse_logits = reverse_logits.reshape(x_prop.shape[0], -1)
    reverse_changes = (x * changed_ind[:, :, None]).reshape(x_prop.shape[0], -1)
    rev_proposal_logp = jnp.sum(jax.nn.log_softmax(flat_reverse_logits, axis=-1) * reverse_changes, axis=-1)

    m_term = logp_rev - logp
    la = m_term + rev_proposal_logp - fwd_proposal_logp
    u = jax.random.uniform(ku, la.shape, dtype=jnp.float32)
    acc_mask = (jnp.exp(la) > u).astype(x.dtype)
    x_new = x_prop * acc_mask[:, None, None] + x * (1.0 - acc_mask[:, None, None])
    return x_new

if __name__ == "__main__":
    import jax
    _d = setup_inputs()
    print(jax.jit(kernel)(*tuple(_d.values())))

</pallas_src>

<mosaic_0001>
#map = affine_map<(d0, d1) -> (0, 0)>
#map1 = affine_map<(d0, d1) -> (0)>
module attributes {stable_mosaic.version = 14 : i64} {
  func.func @_scx_body(%arg0: i32, %arg1: i32, %arg2: memref<32768x128xf32, #tpu.memory_space<hbm>>, %arg3: memref<1024x128xf32, #tpu.memory_space<hbm>>, %arg4: memref<128xi32, #tpu.memory_space<hbm>>, %arg5: memref<128xi32, #tpu.memory_space<hbm>>, %arg6: memref<128x128xf32, #tpu.memory_space<hbm>>, %arg7: memref<128x128xf32, #tpu.memory_space<hbm>>, %arg8: memref<128xi32, #tpu.memory_space<vmem>>, %arg9: memref<128xi32, #tpu.memory_space<vmem>>, %arg10: memref<128x128xf32, #tpu.memory_space<vmem>>, %arg11: memref<128x128xf32, #tpu.memory_space<vmem>>, %arg12: memref<!tpu.dma_semaphore, #tpu.memory_space<semaphore_mem>>) attributes {dimension_semantics = [#tpu.dimension_semantics<core_parallel>, #tpu.dimension_semantics<subcore_parallel>], iteration_bounds = array<i64: 2, 16>, scalar_prefetch = 0 : i64, scratch_operands = 5 : i64, tpu.core_type = #tpu.core_type<sc_vector_subcore>, window_params = [{transform_indices = #map}, {transform_indices = #map}, {transform_indices = #map1}, {transform_indices = #map1}, {transform_indices = #map}, {transform_indices = #map}]} {
    %mul3A = arith.constant 2 : i32
    %mul3A_0 = arith.muli %arg1, %mul3A : i32
    %add3A = arith.addi %mul3A_0, %arg0 : i32
    %eq3A = arith.constant 0 : i32
    %eq3A_1 = arith.cmpi eq, %add3A, %eq3A : i32
    %convert_element_type3A = arith.extui %eq3A_1 : i1 to i32
    %cond3A = arith.constant 0 : i32
    %cond3A_2 = arith.cmpi ne, %convert_element_type3A, %cond3A : i32
    scf.if %cond3A_2 {
      "tpu.region"() ({
        %run_scoped3A = tpu.sem_alloc : memref<!tpu.dma_semaphore, #tpu.memory_space<semaphore_mem>>
        tpu.enqueue_dma source(%arg4 : memref<128xi32, #tpu.memory_space<hbm>>) target(%arg8 : memref<128xi32, #tpu.memory_space<vmem>>) target_semaphore(%run_scoped3A : memref<!tpu.dma_semaphore, #tpu.memory_space<semaphore_mem>>)
        tpu.wait_dma2 semaphore(%run_scoped3A : memref<!tpu.dma_semaphore, #tpu.memory_space<semaphore_mem>>) src(%arg4 : memref<128xi32, #tpu.memory_space<hbm>>) dst(%arg8 : memref<128xi32, #tpu.memory_space<vmem>>)
        tpu.yield
      }) : () -> ()
      %dma_start3A = arith.constant 0 : i32
      %dma_start3A_3 = arith.constant 0 : i32
      %dma_start3A_4 = tpu.memref_slice %arg2[%dma_start3A, %dma_start3A_3] : memref<32768x128xf32, #tpu.memory_space<hbm>> -> memref<32768x128xf32, #tpu.memory_space<hbm>>
      tpu.enqueue_indirect_dma source(%dma_start3A_4 : memref<32768x128xf32, #tpu.memory_space<hbm>>) target(%arg10 : memref<128x128xf32, #tpu.memory_space<vmem>>) offsets(%arg8 : memref<128xi32, #tpu.memory_space<vmem>>) semaphore(%arg12 : memref<!tpu.dma_semaphore, #tpu.memory_space<semaphore_mem>>)
      %dma_wait3A = arith.constant 0 : i32
      %dma_wait3A_5 = arith.constant 0 : i32
      %dma_wait3A_6 = tpu.memref_slice %arg2[%dma_wait3A, %dma_wait3A_5] : memref<32768x128xf32, #tpu.memory_space<hbm>> -> memref<32768x128xf32, #tpu.memory_space<hbm>>
      tpu.wait_indirect_dma semaphore(%arg12 : memref<!tpu.dma_semaphore, #tpu.memory_space<semaphore_mem>>) src(%dma_wait3A_6 : memref<32768x128xf32, #tpu.memory_space<hbm>>) dst(%arg10 : memref<128x128xf32, #tpu.memory_space<vmem>>)
      "tpu.region"() ({
        %run_scoped3A = tpu.sem_alloc : memref<!tpu.dma_semaphore, #tpu.memory_space<semaphore_mem>>
        tpu.enqueue_dma source(%arg10 : memref<128x128xf32, #tpu.memory_space<vmem>>) target(%arg6 : memref<128x128xf32, #tpu.memory_space<hbm>>) target_semaphore(%run_scoped3A : memref<!tpu.dma_semaphore, #tpu.memory_space<semaphore_mem>>)
        tpu.wait_dma2 semaphore(%run_scoped3A : memref<!tpu.dma_semaphore, #tpu.memory_space<semaphore_mem>>) src(%arg10 : memref<128x128xf32, #tpu.memory_space<vmem>>) dst(%arg6 : memref<128x128xf32, #tpu.memory_space<hbm>>)
        tpu.yield
      }) : () -> ()
      "tpu.region"() ({
        %run_scoped3A = tpu.sem_alloc : memref<!tpu.dma_semaphore, #tpu.memory_space<semaphore_mem>>
        tpu.enqueue_dma source(%arg5 : memref<128xi32, #tpu.memory_space<hbm>>) target(%arg9 : memref<128xi32, #tpu.memory_space<vmem>>) target_semaphore(%run_scoped3A : memref<!tpu.dma_semaphore, #tpu.memory_space<semaphore_mem>>)
        tpu.wait_dma2 semaphore(%run_scoped3A : memref<!tpu.dma_semaphore, #tpu.memory_space<semaphore_mem>>) src(%arg5 : memref<128xi32, #tpu.memory_space<hbm>>) dst(%arg9 : memref<128xi32, #tpu.memory_space<vmem>>)
        tpu.yield
      }) : () -> ()
      %dma_start3A_7 = arith.constant 0 : i32
      %dma_start3A_8 = arith.constant 0 : i32
      %dma_start3A_9 = tpu.memref_slice %arg3[%dma_start3A_7, %dma_start3A_8] : memref<1024x128xf32, #tpu.memory_space<hbm>> -> memref<1024x128xf32, #tpu.memory_space<hbm>>
      tpu.enqueue_indirect_dma source(%dma_start3A_9 : memref<1024x128xf32, #tpu.memory_space<hbm>>) target(%arg11 : memref<128x128xf32, #tpu.memory_space<vmem>>) offsets(%arg9 : memref<128xi32, #tpu.memory_space<vmem>>) semaphore(%arg12 : memref<!tpu.dma_semaphore, #tpu.memory_space<semaphore_mem>>)
      %dma_wait3A_10 = arith.constant 0 : i32
      %dma_wait3A_11 = arith.constant 0 : i32
      %dma_wait3A_12 = tpu.memref_slice %arg3[%dma_wait3A_10, %dma_wait3A_11] : memref<1024x128xf32, #tpu.memory_space<hbm>> -> memref<1024x128xf32, #tpu.memory_space<hbm>>
      tpu.wait_indirect_dma semaphore(%arg12 : memref<!tpu.dma_semaphore, #tpu.memory_space<semaphore_mem>>) src(%dma_wait3A_12 : memref<1024x128xf32, #tpu.memory_space<hbm>>) dst(%arg11 : memref<128x128xf32, #tpu.memory_space<vmem>>)
      "tpu.region"() ({
        %run_scoped3A = tpu.sem_alloc : memref<!tpu.dma_semaphore, #tpu.memory_space<semaphore_mem>>
        tpu.enqueue_dma source(%arg11 : memref<128x128xf32, #tpu.memory_space<vmem>>) target(%arg7 : memref<128x128xf32, #tpu.memory_space<hbm>>) target_semaphore(%run_scoped3A : memref<!tpu.dma_semaphore, #tpu.memory_space<semaphore_mem>>)
        tpu.wait_dma2 semaphore(%run_scoped3A : memref<!tpu.dma_semaphore, #tpu.memory_space<semaphore_mem>>) src(%arg11 : memref<128x128xf32, #tpu.memory_space<vmem>>) dst(%arg7 : memref<128x128xf32, #tpu.memory_space<hbm>>)
        tpu.yield
      }) : () -> ()
    } else {
    }
    return
  }
}

module attributes {stable_mosaic.version = 14 : i64} {
  func.func @_p1_body(%arg0: i32, %arg1: memref<64x128x64xf32, #tpu.memory_space<vmem>>, %arg2: memref<8192x32xf32, #tpu.memory_space<vmem>>, %arg3: memref<128x8192xf32, #tpu.memory_space<vmem>>, %arg4: memref<64x128xi32, #tpu.memory_space<vmem>>, %arg5: memref<64x32xf32, #tpu.memory_space<vmem>>, %arg6: memref<64x32xf32, #tpu.memory_space<vmem>>) attributes {dimension_semantics = [#tpu.dimension_semantics<arbitrary>], iteration_bounds = array<i64: 16>, scalar_prefetch = 0 : i64, scratch_operands = 1 : i64, tpu.core_type = #tpu.core_type<tc>, window_params = [{transform_indices = @transform_0, window_bounds = array<i64: 64, 128, 64>}, {transform_indices = @transform_1, window_bounds = array<i64: 8192, 32>}, {pipeline_mode = #tpu.pipeline_mode<synchronous>, transform_indices = @transform_2, window_bounds = array<i64: 128, 8192>}, {transform_indices = @transform_3, window_bounds = array<i64: 64, 128>}, {pipeline_mode = #tpu.pipeline_mode<synchronous>, transform_indices = @transform_4, window_bounds = array<i64: 64, 32>}]} {
    %eq3A = arith.constant 0 : i32
    %eq3A_0 = arith.cmpi eq, %arg0, %eq3A : i32
    %convert_element_type3A = arith.extui %eq3A_0 : i1 to i32
    %cond3A = arith.constant 0 : i32
    %cond3A_1 = arith.cmpi ne, %convert_element_type3A, %cond3A : i32
    scf.if %cond3A_1 {
      %broadcast_in_dim3A_53 = arith.constant 0.000000e+00 : f32
      %broadcast_in_dim3A_54 = vector.broadcast %broadcast_in_dim3A_53 : f32 to vector<64x32xf32>
      %swap3A_55 = arith.constant 0 : index
      %swap3A_56 = arith.constant 0 : index
      %swap3A_57 = vector.load %arg6[%swap3A_55, %swap3A_56] : memref<64x32xf32, #tpu.memory_space<vmem>>, vector<64x32xf32>
      tpu.vector_store %arg6[%swap3A_55, %swap3A_56], %broadcast_in_dim3A_54 {strides = array<i32>} : memref<64x32xf32, #tpu.memory_space<vmem>>, vector<64x32xf32>,
    } else {
    }
    %get3A = arith.constant 0 : index
    %get3A_2 = arith.constant 0 : index
    %get3A_3 = arith.constant 0 : index
    %get3A_4 = vector.load %arg1[%get3A, %get3A_2, %get3A_3] : memref<64x128x64xf32, #tpu.memory_space<vmem>>, vector<64x128x64xf32>
    %iota3A = tpu.iota {dimensions = array<i32: 2>} : vector<64x128x64xi32>
    %convert_element_type3A_5 = arith.sitofp %iota3A : vector<64x128x64xi32> to vector<64x128x64xf32>
    %mul3A = arith.mulf %get3A_4, %convert_element_type3A_5 : vector<64x128x64xf32>
    %reduce_sum3A = arith.constant dense<0.000000e+00> : vector<64x128xf32>
    %reduce_sum3A_6 = vector.multi_reduction <add>, %mul3A, %reduce_sum3A [2] : vector<64x128x64xf32> to vector<64x128xf32>
    %convert_element_type3A_7 = arith.fptosi %reduce_sum3A_6 : vector<64x128xf32> to vector<64x128xi32>
    %swap3A = arith.constant 0 : index
    %swap3A_8 = arith.constant 0 : index
    %swap3A_9 = vector.load %arg4[%swap3A, %swap3A_8] : memref<64x128xi32, #tpu.memory_space<vmem>>, vector<64x128xi32>
    tpu.vector_store %arg4[%swap3A, %swap3A_8], %convert_element_type3A_7 {strides = array<i32>} : memref<64x128xi32, #tpu.memory_space<vmem>>, vector<64x128xi32>,
    %get3A_10 = arith.constant 0 : index
    %get3A_11 = arith.constant 0 : index
    %get3A_12 = vector.load %arg3[%get3A_10, %get3A_11] : memref<128x8192xf32, #tpu.memory_space<vmem>>, vector<128x8192xf32>
    %dot_general3A = arith.constant dense<0.000000e+00> : vector<64x8192xf32>
    %dot_general3A_13 = tpu.matmul %reduce_sum3A_6, %get3A_12, %dot_general3A {dimension_numbers = #tpu.dot_dimension_numbers<[1], [0], [0], [1], [0, 0, 1, 1], [], []>, transpose_lhs_hint = false} : vector<64x128xf32>, vector<128x8192xf32>, vector<64x8192xf32> -> vector<64x8192xf32>
    %iota3A_14 = tpu.iota {dimensions = array<i32: 1>} : vector<64x8192xi32>
    %jit3A = arith.constant 64 : i32
    %eq3A_15 = arith.constant 0 : i32
    %eq3A_16 = arith.cmpi eq, %jit3A, %eq3A_15 : i32
    %jit3A_17 = arith.constant 1 : i32
    %select_n3A = arith.select %eq3A_16, %jit3A_17, %jit3A : i32
    %rem3A = vector.broadcast %select_n3A : i32 to vector<64x8192xi32>
    %rem3A_18 = arith.remsi %iota3A_14, %rem3A : vector<64x8192xi32>
    %ne3A = arith.constant 0 : i32
    %ne3A_19 = vector.broadcast %ne3A : i32 to vector<64x8192xi32>
    %ne3A_20 = arith.cmpi ne, %rem3A_18, %ne3A_19 : vector<64x8192xi32>
    %lt3A = arith.constant 0 : i32
    %lt3A_21 = vector.broadcast %lt3A : i32 to vector<64x8192xi32>
    %lt3A_22 = arith.cmpi slt, %rem3A_18, %lt3A_21 : vector<64x8192xi32>
    %lt3A_23 = arith.constant 0 : i32
    %lt3A_24 = arith.cmpi slt, %select_n3A, %lt3A_23 : i32
    %ne3A_25 = vector.broadcast %lt3A_24 : i1 to vector<64x8192xi1>
    %ne3A_26 = vector.broadcast %ne3A_25 : vector<64x8192xi1> to vector<64x8192xi1>
    %ne3A_27 = arith.xori %lt3A_22, %ne3A_26 : vector<64x8192xi1>
    %and3A = arith.andi %ne3A_27, %ne3A_20 : vector<64x8192xi1>
    %add3A = vector.broadcast %select_n3A : i32 to vector<64x8192xi32>
    %add3A_28 = arith.addi %rem3A_18, %add3A : vector<64x8192xi32>
    %select_n3A_29 = arith.select %and3A, %add3A_28, %rem3A_18 : vector<64x8192xi1>, vector<64x8192xi32>
    %convert_element_type3A_30 = arith.sitofp %select_n3A_29 : vector<64x8192xi32> to vector<64x8192xf32>
    %eq3A_31 = arith.cmpf oeq, %dot_general3A_13, %convert_element_type3A_30 : vector<64x8192xf32>
    %jit3A_32 = arith.constant 1.000000e+00 : f32
    %jit3A_33 = arith.constant 0.000000e+00 : f32
    %broadcast_in_dim3A = vector.broadcast %jit3A_32 : f32 to vector<64x8192xf32>
    %broadcast_in_dim3A_34 = vector.broadcast %jit3A_33 : f32 to vector<64x8192xf32>
    %select_n3A_35 = arith.select %eq3A_31, %broadcast_in_dim3A, %broadcast_in_dim3A_34 : vector<64x8192xi1>, vector<64x8192xf32>
    %get3A_36 = arith.constant 0 : index
    %get3A_37 = arith.constant 0 : index
    %get3A_38 = vector.load %arg6[%get3A_36, %get3A_37] : memref<64x32xf32, #tpu.memory_space<vmem>>, vector<64x32xf32>
    %get3A_39 = arith.constant 0 : index
    %get3A_40 = arith.constant 0 : index
    %get3A_41 = vector.load %arg2[%get3A_39, %get3A_40] : memref<8192x32xf32, #tpu.memory_space<vmem>>, vector<8192x32xf32>
    %dot_general3A_42 = arith.constant dense<0.000000e+00> : vector<64x32xf32>
    %dot_general3A_43 = tpu.matmul %select_n3A_35, %get3A_41, %dot_general3A_42 {dimension_numbers = #tpu.dot_dimension_numbers<[1], [0], [0], [1], [0, 0, 1, 1], [], []>, precision = #tpu.contract_precision<fp32>, transpose_lhs_hint = false} : vector<64x8192xf32>, vector<8192x32xf32>, vector<64x32xf32> -> vector<64x32xf32>
    %add3A_44 = arith.addf %get3A_38, %dot_general3A_43 : vector<64x32xf32>
    %swap3A_45 = arith.constant 0 : index
    %swap3A_46 = arith.constant 0 : index
    %swap3A_47 = vector.load %arg6[%swap3A_45, %swap3A_46] : memref<64x32xf32, #tpu.memory_space<vmem>>, vector<64x32xf32>
    tpu.vector_store %arg6[%swap3A_45, %swap3A_46], %add3A_44 {strides = array<i32>} : memref<64x32xf32, #tpu.memory_space<vmem>>, vector<64x32xf32>,
    %eq3A_48 = arith.constant 15 : i32
    %eq3A_49 = arith.cmpi eq, %arg0, %eq3A_48 : i32
    %convert_element_type3A_50 = arith.extui %eq3A_49 : i1 to i32
    %cond3A_51 = arith.constant 0 : i32
    %cond3A_52 = arith.cmpi ne, %convert_element_type3A_50, %cond3A_51 : i32
    scf.if %cond3A_52 {
      %get3A_53 = arith.constant 0 : index
      %get3A_54 = arith.constant 0 : index
      %get3A_55 = vector.load %arg6[%get3A_53, %get3A_54] : memref<64x32xf32, #tpu.memory_space<vmem>>, vector<64x32xf32>
      %swap3A_56 = arith.constant 0 : index
      %swap3A_57 = arith.constant 0 : index
      %swap3A_58 = vector.load %arg5[%swap3A_56, %swap3A_57] : memref<64x32xf32, #tpu.memory_space<vmem>>, vector<64x32xf32>
      tpu.vector_store %arg5[%swap3A_56, %swap3A_57], %get3A_55 {strides = array<i32>} : memref<64x32xf32, #tpu.memory_space<vmem>>, vector<64x32xf32>,
    } else {
    }
    return
  }
  func.func @transform_0(%arg0: i32) -> (i32, i32, i32) {
    %c0_i32 = arith.constant 0 : i32
    %c0_i32_0 = arith.constant 0 : i32
    %c0_i32_1 = arith.constant 0 : i32
    return %c0_i32, %arg0, %c0_i32_0 : i32, i32, i32
  }
  func.func @transform_1(%arg0: i32) -> (i32, i32) {
    %c0_i32 = arith.constant 0 : i32
    %c0_i32_0 = arith.constant 0 : i32
    return %arg0, %c0_i32 : i32, i32
  }
  func.func @transform_2(%arg0: i32) -> (i32, i32) {
    %c0_i32 = arith.constant 0 : i32
    %c0_i32_0 = arith.constant 0 : i32
    %c0_i32_1 = arith.constant 0 : i32
    return %c0_i32, %c0_i32_0 : i32, i32
  }
  func.func @transform_3(%arg0: i32) -> (i32, i32) {
    %c0_i32 = arith.constant 0 : i32
    %c0_i32_0 = arith.constant 0 : i32
    return %c0_i32, %arg0 : i32, i32
  }
  func.func @transform_4(%arg0: i32) -> (i32, i32) {
    %c0_i32 = arith.constant 0 : i32
    %c0_i32_0 = arith.constant 0 : i32
    %c0_i32_1 = arith.constant 0 : i32
    return %c0_i32, %c0_i32_0 : i32, i32
  }
}

module attributes {stable_mosaic.version = 14 : i64} {
  func.func @_pf_body(%arg0: i32, %arg1: memref<8192x32xf32, #tpu.memory_space<vmem>>, %arg2: memref<1x1x8192xf32, #tpu.memory_space<vmem>>, %arg3: memref<1x2xi32, #tpu.memory_space<vmem>>, %arg4: memref<64x2048xi32, #tpu.memory_space<vmem>>, %arg5: memref<64x32xf32, #tpu.memory_space<vmem>>, %arg6: memref<128x8192xf32, #tpu.memory_space<vmem>>, %arg7: memref<8192x128xf32, #tpu.memory_space<vmem>>, %arg8: memref<64x1xi32, #tpu.memory_space<vmem>>, %arg9: memref<64x1xi32, #tpu.memory_space<vmem>>, %arg10: memref<64x1xf32, #tpu.memory_space<vmem>>, %arg11: memref<64x1xf32, #tpu.memory_space<vmem>>, %arg12: memref<64x1xi32, #tpu.memory_space<vmem>>, %arg13: memref<64x1xf32, #tpu.memory_space<vmem>>, %arg14: memref<64x1xf32, #tpu.memory_space<vmem>>, %arg15: memref<64x1xf32, #tpu.memory_space<vmem>>) attributes {dimension_semantics = [#tpu.dimension_semantics<arbitrary>], iteration_bounds = array<i64: 16>, scalar_prefetch = 0 : i64, scratch_operands = 5 : i64, tpu.core_type = #tpu.core_type<tc>, window_params = [{transform_indices = @transform_0, window_bounds = array<i64: 8192, 32>}, {transform_indices = @transform_1, window_bounds = array<i64: 1, 1, 8192>}, {pipeline_mode = #tpu.pipeline_mode<synchronous>, transform_indices = @transform_2, window_bounds = array<i64: 1, 2>}, {pipeline_mode = #tpu.pipeline_mode<synchronous>, transform_indices = @transform_3, window_bounds = array<i64: 64, 2048>}, {pipeline_mode = #tpu.pipeline_mode<synchronous>, transform_indices = @transform_4, window_bounds = array<i64: 64, 32>}, {pipeline_mode = #tpu.pipeline_mode<synchronous>, transform_indices = @transform_5, window_bounds = array<i64: 128, 8192>}, {pipeline_mode = #tpu.pipeline_mode<synchronous>, transform_indices = @transform_6, window_bounds = array<i64: 8192, 128>}, {pipeline_mode = #tpu.pipeline_mode<synchronous>, transform_indices = @transform_7, window_bounds = array<i64: 64, 1>}, {pipeline_mode = #tpu.pipeline_mode<synchronous>, transform_indices = @transform_8, window_bounds = array<i64: 64, 1>}, {pipeline_mode = #tpu.pipeline_mode<synchronous>, transform_indices = @transform_9, window_bounds = array<i64: 64, 1>}]} {
    %eq3A = arith.constant 0 : i32
    %eq3A_0 = arith.cmpi eq, %arg0, %eq3A : i32
    %convert_element_type3A = arith.extui %eq3A_0 : i1 to i32
    %cond3A = arith.constant 0 : i32
    %cond3A_1 = arith.cmpi ne, %convert_element_type3A, %cond3A : i32
    scf.if %cond3A_1 {
      %broadcast_in_dim3A_397 = arith.constant -3.000000e+38 : f32
      %broadcast_in_dim3A_398 = vector.broadcast %broadcast_in_dim3A_397 : f32 to vector<64x1xf32>
      %swap3A_399 = arith.constant 0 : index
      %swap3A_400 = arith.constant 0 : index
      %swap3A_401 = vector.load %arg11[%swap3A_399, %swap3A_400] : memref<64x1xf32, #tpu.memory_space<vmem>>, vector<64x1xf32>
      tpu.vector_store %arg11[%swap3A_399, %swap3A_400], %broadcast_in_dim3A_398 {strides = array<i32>} : memref<64x1xf32, #tpu.memory_space<vmem>>, vector<64x1xf32>,
      %broadcast_in_dim3A_402 = arith.constant 0 : i32
      %broadcast_in_dim3A_403 = vector.broadcast %broadcast_in_dim3A_402 : i32 to vector<64x1xi32>
      %swap3A_404 = arith.constant 0 : index
      %swap3A_405 = arith.constant 0 : index
      %swap3A_406 = vector.load %arg12[%swap3A_404, %swap3A_405] : memref<64x1xi32, #tpu.memory_space<vmem>>, vector<64x1xi32>
      tpu.vector_store %arg12[%swap3A_404, %swap3A_405], %broadcast_in_dim3A_403 {strides = array<i32>} : memref<64x1xi32, #tpu.memory_space<vmem>>, vector<64x1xi32>,
      %broadcast_in_dim3A_407 = arith.constant 0.000000e+00 : f32
      %broadcast_in_dim3A_408 = vector.broadcast %broadcast_in_dim3A_407 : f32 to vector<64x1xf32>
      %swap3A_409 = arith.constant 0 : index
      %swap3A_410 = arith.constant 0 : index
      %swap3A_411 = vector.load %arg13[%swap3A_409, %swap3A_410] : memref<64x1xf32, #tpu.memory_space<vmem>>, vector<64x1xf32>
      tpu.vector_store %arg13[%swap3A_409, %swap3A_410], %broadcast_in_dim3A_408 {strides = array<i32>} : memref<64x1xf32, #tpu.memory_space<vmem>>, vector<64x1xf32>,
      %broadcast_in_dim3A_412 = arith.constant -3.000000e+38 : f32
      %broadcast_in_dim3A_413 = vector.broadcast %broadcast_in_dim3A_412 : f32 to vector<64x1xf32>
      %swap3A_414 = arith.constant 0 : index
      %swap3A_415 = arith.constant 0 : index
      %swap3A_416 = vector.load %arg14[%swap3A_414, %swap3A_415] : memref<64x1xf32, #tpu.memory_space<vmem>>, vector<64x1xf32>
      tpu.vector_store %arg14[%swap3A_414, %swap3A_415], %broadcast_in_dim3A_413 {strides = array<i32>} : memref<64x1xf32, #tpu.memory_space<vmem>>, vector<64x1xf32>,
      %broadcast_in_dim3A_417 = arith.constant 0.000000e+00 : f32
      %broadcast_in_dim3A_418 = vector.broadcast %broadcast_in_dim3A_417 : f32 to vector<64x1xf32>
      %swap3A_419 = arith.constant 0 : index
      %swap3A_420 = arith.constant 0 : index
      %swap3A_421 = vector.load %arg15[%swap3A_419, %swap3A_420] : memref<64x1xf32, #tpu.memory_space<vmem>>, vector<64x1xf32>
      tpu.vector_store %arg15[%swap3A_419, %swap3A_420], %broadcast_in_dim3A_418 {strides = array<i32>} : memref<64x1xf32, #tpu.memory_space<vmem>>, vector<64x1xf32>,
    } else {
    }
    %get3A = arith.constant 0 : index
    %get3A_2 = arith.constant 0 : index
    %get3A_3 = vector.load %arg1[%get3A, %get3A_2] : memref<8192x32xf32, #tpu.memory_space<vmem>>, vector<8192x32xf32>
    %get3A_4 = arith.constant 0 : index
    %get3A_5 = arith.constant 0 : index
    %get3A_6 = vector.load %arg5[%get3A_4, %get3A_5] : memref<64x32xf32, #tpu.memory_space<vmem>>, vector<64x32xf32>
    %get3A_7 = arith.constant 0 : index
    %get3A_8 = arith.constant 0 : index
    %get3A_9 = arith.constant 0 : index
    %get3A_10 = vector.load %arg2[%get3A_7, %get3A_8, %get3A_9] : memref<1x1x8192xf32, #tpu.memory_space<vmem>>, vector<1x1x8192xf32>
    %reshape3A = vector.shape_cast %get3A_10 : vector<1x1x8192xf32> to vector<1x8192xf32>
    %dot_general3A = arith.constant dense<0.000000e+00> : vector<64x8192xf32>
    %dot_general3A_11 = tpu.matmul %get3A_6, %get3A_3, %dot_general3A {dimension_numbers = #tpu.dot_dimension_numbers<[1], [1], [0], [0], [0, 0, 1, 0], [], []>, precision = #tpu.contract_precision<fp32>, transpose_lhs_hint = false} : vector<64x32xf32>, vector<8192x32xf32>, vector<64x8192xf32> -> vector<64x8192xf32>
    %sub3A = vector.broadcast %reshape3A : vector<1x8192xf32> to vector<64x8192xf32>
    %sub3A_12 = arith.subf %sub3A, %dot_general3A_11 : vector<64x8192xf32>
    %mul3A = arith.constant 128 : i32
    %mul3A_13 = arith.muli %arg0, %mul3A : i32
    %get3A_14 = arith.constant 0 : index
    %get3A_15 = arith.index_cast %mul3A_13 : i32 to index
    %get3A_16 = vector.load %arg4[%get3A_14, %get3A_15] : memref<64x2048xi32, #tpu.memory_space<vmem>>, vector<64x128xi32>
    %convert_element_type3A_17 = arith.sitofp %get3A_16 : vector<64x128xi32> to vector<64x128xf32>
    %get3A_18 = arith.constant 0 : index
    %get3A_19 = arith.constant 0 : index
    %get3A_20 = vector.load %arg6[%get3A_18, %get3A_19] : memref<128x8192xf32, #tpu.memory_space<vmem>>, vector<128x8192xf32>
    %dot_general3A_21 = arith.constant dense<0.000000e+00> : vector<64x8192xf32>
    %dot_general3A_22 = tpu.matmul %convert_element_type3A_17, %get3A_20, %dot_general3A_21 {dimension_numbers = #tpu.dot_dimension_numbers<[1], [0], [0], [1], [0, 0, 1, 1], [], []>, transpose_lhs_hint = false} : vector<64x128xf32>, vector<128x8192xf32>, vector<64x8192xf32> -> vector<64x8192xf32>
    %iota3A = tpu.iota {dimensions = array<i32: 1>} : vector<64x8192xi32>
    %jit3A = arith.constant 64 : i32
    %eq3A_23 = arith.constant 0 : i32
    %eq3A_24 = arith.cmpi eq, %jit3A, %eq3A_23 : i32
    %jit3A_25 = arith.constant 1 : i32
    %select_n3A = arith.select %eq3A_24, %jit3A_25, %jit3A : i32
    %rem3A = vector.broadcast %select_n3A : i32 to vector<64x8192xi32>
    %rem3A_26 = arith.remsi %iota3A, %rem3A : vector<64x8192xi32>
    %ne3A = arith.constant 0 : i32
    %ne3A_27 = vector.broadcast %ne3A : i32 to vector<64x8192xi32>
    %ne3A_28 = arith.cmpi ne, %rem3A_26, %ne3A_27 : vector<64x8192xi32>
    %lt3A = arith.constant 0 : i32
    %lt3A_29 = vector.broadcast %lt3A : i32 to vector<64x8192xi32>
    %lt3A_30 = arith.cmpi slt, %rem3A_26, %lt3A_29 : vector<64x8192xi32>
    %lt3A_31 = arith.constant 0 : i32
    %lt3A_32 = arith.cmpi slt, %select_n3A, %lt3A_31 : i32
    %ne3A_33 = vector.broadcast %lt3A_32 : i1 to vector<64x8192xi1>
    %ne3A_34 = vector.broadcast %ne3A_33 : vector<64x8192xi1> to vector<64x8192xi1>
    %ne3A_35 = arith.xori %lt3A_30, %ne3A_34 : vector<64x8192xi1>
    %and3A = arith.andi %ne3A_35, %ne3A_28 : vector<64x8192xi1>
    %add3A = vector.broadcast %select_n3A : i32 to vector<64x8192xi32>
    %add3A_36 = arith.addi %rem3A_26, %add3A : vector<64x8192xi32>
    %select_n3A_37 = arith.select %and3A, %add3A_36, %rem3A_26 : vector<64x8192xi1>, vector<64x8192xi32>
    %convert_element_type3A_38 = arith.sitofp %select_n3A_37 : vector<64x8192xi32> to vector<64x8192xf32>
    %eq3A_39 = arith.cmpf oeq, %dot_general3A_22, %convert_element_type3A_38 : vector<64x8192xf32>
    %jit3A_40 = arith.constant 0.000000e+00 : f32
    %broadcast_in_dim3A = vector.broadcast %jit3A_40 : f32 to vector<64x8192xf32>
    %select_n3A_41 = arith.select %eq3A_39, %sub3A_12, %broadcast_in_dim3A : vector<64x8192xi1>, vector<64x8192xf32>
    %get3A_42 = arith.constant 0 : index
    %get3A_43 = arith.constant 0 : index
    %get3A_44 = vector.load %arg7[%get3A_42, %get3A_43] : memref<8192x128xf32, #tpu.memory_space<vmem>>, vector<8192x128xf32>
    %dot_general3A_45 = arith.constant dense<0.000000e+00> : vector<64x128xf32>
    %dot_general3A_46 = tpu.matmul %select_n3A_41, %get3A_44, %dot_general3A_45 {dimension_numbers = #tpu.dot_dimension_numbers<[1], [0], [0], [1], [0, 0, 1, 1], [], []>, transpose_lhs_hint = false} : vector<64x8192xf32>, vector<8192x128xf32>, vector<64x128xf32> -> vector<64x128xf32>
    %get3A_47 = arith.constant 0 : index
    %get3A_48 = arith.constant 0 : index
    %get3A_49 = vector.load %arg6[%get3A_47, %get3A_48] : memref<128x8192xf32, #tpu.memory_space<vmem>>, vector<128x8192xf32>
    %dot_general3A_50 = arith.constant dense<0.000000e+00> : vector<64x8192xf32>
    %dot_general3A_51 = tpu.matmul %dot_general3A_46, %get3A_49, %dot_general3A_50 {dimension_numbers = #tpu.dot_dimension_numbers<[1], [0], [0], [1], [0, 0, 1, 1], [], []>, transpose_lhs_hint = false} : vector<64x128xf32>, vector<128x8192xf32>, vector<64x8192xf32> -> vector<64x8192xf32>
    %sub3A_52 = arith.subf %sub3A_12, %dot_general3A_51 : vector<64x8192xf32>
    %mul3A_53 = arith.constant 5.000000e-01 : f32
    %mul3A_54 = vector.broadcast %mul3A_53 : f32 to vector<64x8192xf32>
    %mul3A_55 = arith.mulf %sub3A_52, %mul3A_54 : vector<64x8192xf32>
    %jit3A_56 = arith.constant -1.000000e+09 : f32
    %broadcast_in_dim3A_57 = vector.broadcast %jit3A_56 : f32 to vector<64x8192xf32>
    %select_n3A_58 = arith.select %eq3A_39, %broadcast_in_dim3A_57, %mul3A_55 : vector<64x8192xi1>, vector<64x8192xf32>
    %get3A_59 = arith.constant 0 : index
    %get3A_60 = arith.constant 0 : index
    %get3A_61 = vector.load %arg3[%get3A_59, %get3A_60] : memref<1x2xi32, #tpu.memory_space<vmem>>, vector<1x1xi32>
    %get3A_62 = arith.constant 0 : index
    %get3A_63 = arith.constant 1 : index
    %get3A_64 = vector.load %arg3[%get3A_62, %get3A_63] : memref<1x2xi32, #tpu.memory_space<vmem>>, vector<1x1xi32>
    %mul3A_65 = arith.constant 8192 : i32
    %mul3A_66 = arith.muli %arg0, %mul3A_65 : i32
    %xor3A = arith.xori %get3A_61, %get3A_64 : vector<1x1xi32>
    %xor3A_67 = arith.constant 466688986 : i32
    %xor3A_68 = vector.broadcast %xor3A_67 : i32 to vector<1x1xi32>
    %xor3A_69 = arith.xori %xor3A, %xor3A_68 : vector<1x1xi32>
    %iota3A_70 = tpu.iota {dimensions = array<i32: 0>} : vector<64x8192xi32>
    %mul3A_71 = arith.constant 131072 : i32
    %mul3A_72 = vector.broadcast %mul3A_71 : i32 to vector<64x8192xi32>
    %mul3A_73 = arith.muli %iota3A_70, %mul3A_72 : vector<64x8192xi32>
    %iota3A_74 = tpu.iota {dimensions = array<i32: 1>} : vector<64x8192xi32>
    %add3A_75 = arith.addi %mul3A_73, %iota3A_74 : vector<64x8192xi32>
    %add3A_76 = vector.broadcast %mul3A_66 : i32 to vector<64x8192xi32>
    %add3A_77 = arith.addi %add3A_75, %add3A_76 : vector<64x8192xi32>
    %broadcast_in_dim3A_78 = vector.shape_cast %get3A_61 : vector<1x1xi32> to vector<1x1xi32>
    %broadcast_in_dim3A_79 = vector.broadcast %broadcast_in_dim3A_78 : vector<1x1xi32> to vector<64x8192xi32>
    %add3A_80 = vector.broadcast %get3A_64 : vector<1x1xi32> to vector<64x8192xi32>
    %add3A_81 = arith.addi %add3A_77, %add3A_80 : vector<64x8192xi32>
    %add3A_82 = arith.addi %broadcast_in_dim3A_79, %add3A_81 : vector<64x8192xi32>
    %shift_left3A = arith.constant 13 : i32
    %shift_left3A_83 = vector.broadcast %shift_left3A : i32 to vector<64x8192xi32>
    %shift_left3A_84 = arith.shli %add3A_81, %shift_left3A_83 : vector<64x8192xi32>
    %shift_right_logical3A = arith.constant 19 : i32
    %shift_right_logical3A_85 = vector.broadcast %shift_right_logical3A : i32 to vector<64x8192xi32>
    %shift_right_logical3A_86 = arith.shrui %add3A_81, %shift_right_logical3A_85 : vector<64x8192xi32>
    %or3A = arith.ori %shift_left3A_84, %shift_right_logical3A_86 : vector<64x8192xi32>
    %xor3A_87 = arith.xori %or3A, %add3A_82 : vector<64x8192xi32>
    %add3A_88 = arith.addi %add3A_82, %xor3A_87 : vector<64x8192xi32>
    %shift_left3A_89 = arith.constant 15 : i32
    %shift_left3A_90 = vector.broadcast %shift_left3A_89 : i32 to vector<64x8192xi32>
    %shift_left3A_91 = arith.shli %xor3A_87, %shift_left3A_90 : vector<64x8192xi32>
    %shift_right_logical3A_92 = arith.constant 17 : i32
    %shift_right_logical3A_93 = vector.broadcast %shift_right_logical3A_92 : i32 to vector<64x8192xi32>
    %shift_right_logical3A_94 = arith.shrui %xor3A_87, %shift_right_logical3A_93 : vector<64x8192xi32>
    %or3A_95 = arith.ori %shift_left3A_91, %shift_right_logical3A_94 : vector<64x8192xi32>
    %xor3A_96 = arith.xori %or3A_95, %add3A_88 : vector<64x8192xi32>
    %add3A_97 = arith.addi %add3A_88, %xor3A_96 : vector<64x8192xi32>
    %shift_left3A_98 = arith.constant 26 : i32
    %shift_left3A_99 = vector.broadcast %shift_left3A_98 : i32 to vector<64x8192xi32>
    %shift_left3A_100 = arith.shli %xor3A_96, %shift_left3A_99 : vector<64x8192xi32>
    %shift_right_logical3A_101 = arith.constant 6 : i32
    %shift_right_logical3A_102 = vector.broadcast %shift_right_logical3A_101 : i32 to vector<64x8192xi32>
    %shift_right_logical3A_103 = arith.shrui %xor3A_96, %shift_right_logical3A_102 : vector<64x8192xi32>
    %or3A_104 = arith.ori %shift_left3A_100, %shift_right_logical3A_103 : vector<64x8192xi32>
    %xor3A_105 = arith.xori %or3A_104, %add3A_97 : vector<64x8192xi32>
    %add3A_106 = arith.addi %add3A_97, %xor3A_105 : vector<64x8192xi32>
    %shift_left3A_107 = arith.constant 6 : i32
    %shift_left3A_108 = vector.broadcast %shift_left3A_107 : i32 to vector<64x8192xi32>
    %shift_left3A_109 = arith.shli %xor3A_105, %shift_left3A_108 : vector<64x8192xi32>
    %shift_right_logical3A_110 = arith.constant 26 : i32
    %shift_right_logical3A_111 = vector.broadcast %shift_right_logical3A_110 : i32 to vector<64x8192xi32>
    %shift_right_logical3A_112 = arith.shrui %xor3A_105, %shift_right_logical3A_111 : vector<64x8192xi32>
    %or3A_113 = arith.ori %shift_left3A_109, %shift_right_logical3A_112 : vector<64x8192xi32>
    %xor3A_114 = arith.xori %or3A_113, %add3A_106 : vector<64x8192xi32>
    %add3A_115 = vector.broadcast %get3A_64 : vector<1x1xi32> to vector<64x8192xi32>
    %add3A_116 = arith.addi %add3A_106, %add3A_115 : vector<64x8192xi32>
    %add3A_117 = arith.constant 1 : i32
    %add3A_118 = vector.broadcast %add3A_117 : i32 to vector<1x1xi32>
    %add3A_119 = arith.addi %xor3A_69, %add3A_118 : vector<1x1xi32>
    %add3A_120 = vector.broadcast %add3A_119 : vector<1x1xi32> to vector<64x8192xi32>
    %add3A_121 = arith.addi %xor3A_114, %add3A_120 : vector<64x8192xi32>
    %add3A_122 = arith.addi %add3A_116, %add3A_121 : vector<64x8192xi32>
    %shift_left3A_123 = arith.constant 17 : i32
    %shift_left3A_124 = vector.broadcast %shift_left3A_123 : i32 to vector<64x8192xi32>
    %shift_left3A_125 = arith.shli %add3A_121, %shift_left3A_124 : vector<64x8192xi32>
    %shift_right_logical3A_126 = arith.constant 15 : i32
    %shift_right_logical3A_127 = vector.broadcast %shift_right_logical3A_126 : i32 to vector<64x8192xi32>
    %shift_right_logical3A_128 = arith.shrui %add3A_121, %shift_right_logical3A_127 : vector<64x8192xi32>
    %or3A_129 = arith.ori %shift_left3A_125, %shift_right_logical3A_128 : vector<64x8192xi32>
    %xor3A_130 = arith.xori %or3A_129, %add3A_122 : vector<64x8192xi32>
    %add3A_131 = arith.addi %add3A_122, %xor3A_130 : vector<64x8192xi32>
    %shift_left3A_132 = arith.constant 29 : i32
    %shift_left3A_133 = vector.broadcast %shift_left3A_132 : i32 to vector<64x8192xi32>
    %shift_left3A_134 = arith.shli %xor3A_130, %shift_left3A_133 : vector<64x8192xi32>
    %shift_right_logical3A_135 = arith.constant 3 : i32
    %shift_right_logical3A_136 = vector.broadcast %shift_right_logical3A_135 : i32 to vector<64x8192xi32>
    %shift_right_logical3A_137 = arith.shrui %xor3A_130, %shift_right_logical3A_136 : vector<64x8192xi32>
    %or3A_138 = arith.ori %shift_left3A_134, %shift_right_logical3A_137 : vector<64x8192xi32>
    %xor3A_139 = arith.xori %or3A_138, %add3A_131 : vector<64x8192xi32>
    %add3A_140 = arith.addi %add3A_131, %xor3A_139 : vector<64x8192xi32>
    %shift_left3A_141 = arith.constant 16 : i32
    %shift_left3A_142 = vector.broadcast %shift_left3A_141 : i32 to vector<64x8192xi32>
    %shift_left3A_143 = arith.shli %xor3A_139, %shift_left3A_142 : vector<64x8192xi32>
    %shift_right_logical3A_144 = arith.constant 16 : i32
    %shift_right_logical3A_145 = vector.broadcast %shift_right_logical3A_144 : i32 to vector<64x8192xi32>
    %shift_right_logical3A_146 = arith.shrui %xor3A_139, %shift_right_logical3A_145 : vector<64x8192xi32>
    %or3A_147 = arith.ori %shift_left3A_143, %shift_right_logical3A_146 : vector<64x8192xi32>
    %xor3A_148 = arith.xori %or3A_147, %add3A_140 : vector<64x8192xi32>
    %add3A_149 = arith.addi %add3A_140, %xor3A_148 : vector<64x8192xi32>
    %shift_left3A_150 = arith.constant 24 : i32
    %shift_left3A_151 = vector.broadcast %shift_left3A_150 : i32 to vector<64x8192xi32>
    %shift_left3A_152 = arith.shli %xor3A_148, %shift_left3A_151 : vector<64x8192xi32>
    %shift_right_logical3A_153 = arith.constant 8 : i32
    %shift_right_logical3A_154 = vector.broadcast %shift_right_logical3A_153 : i32 to vector<64x8192xi32>
    %shift_right_logical3A_155 = arith.shrui %xor3A_148, %shift_right_logical3A_154 : vector<64x8192xi32>
    %or3A_156 = arith.ori %shift_left3A_152, %shift_right_logical3A_155 : vector<64x8192xi32>
    %xor3A_157 = arith.xori %or3A_156, %add3A_149 : vector<64x8192xi32>
    %add3A_158 = vector.broadcast %xor3A_69 : vector<1x1xi32> to vector<64x8192xi32>
    %add3A_159 = arith.addi %add3A_149, %add3A_158 : vector<64x8192xi32>
    %add3A_160 = arith.constant 2 : i32
    %add3A_161 = vector.broadcast %add3A_160 : i32 to vector<1x1xi32>
    %add3A_162 = arith.addi %get3A_61, %add3A_161 : vector<1x1xi32>
    %add3A_163 = vector.broadcast %add3A_162 : vector<1x1xi32> to vector<64x8192xi32>
    %add3A_164 = arith.addi %xor3A_157, %add3A_163 : vector<64x8192xi32>
    %add3A_165 = arith.addi %add3A_159, %add3A_164 : vector<64x8192xi32>
    %shift_left3A_166 = arith.constant 13 : i32
    %shift_left3A_167 = vector.broadcast %shift_left3A_166 : i32 to vector<64x8192xi32>
    %shift_left3A_168 = arith.shli %add3A_164, %shift_left3A_167 : vector<64x8192xi32>
    %shift_right_logical3A_169 = arith.constant 19 : i32
    %shift_right_logical3A_170 = vector.broadcast %shift_right_logical3A_169 : i32 to vector<64x8192xi32>
    %shift_right_logical3A_171 = arith.shrui %add3A_164, %shift_right_logical3A_170 : vector<64x8192xi32>
    %or3A_172 = arith.ori %shift_left3A_168, %shift_right_logical3A_171 : vector<64x8192xi32>
    %xor3A_173 = arith.xori %or3A_172, %add3A_165 : vector<64x8192xi32>
    %add3A_174 = arith.addi %add3A_165, %xor3A_173 : vector<64x8192xi32>
    %shift_left3A_175 = arith.constant 15 : i32
    %shift_left3A_176 = vector.broadcast %shift_left3A_175 : i32 to vector<64x8192xi32>
    %shift_left3A_177 = arith.shli %xor3A_173, %shift_left3A_176 : vector<64x8192xi32>
    %shift_right_logical3A_178 = arith.constant 17 : i32
    %shift_right_logical3A_179 = vector.broadcast %shift_right_logical3A_178 : i32 to vector<64x8192xi32>
    %shift_right_logical3A_180 = arith.shrui %xor3A_173, %shift_right_logical3A_179 : vector<64x8192xi32>
    %or3A_181 = arith.ori %shift_left3A_177, %shift_right_logical3A_180 : vector<64x8192xi32>
    %xor3A_182 = arith.xori %or3A_181, %add3A_174 : vector<64x8192xi32>
    %add3A_183 = arith.addi %add3A_174, %xor3A_182 : vector<64x8192xi32>
    %shift_left3A_184 = arith.constant 26 : i32
    %shift_left3A_185 = vector.broadcast %shift_left3A_184 : i32 to vector<64x8192xi32>
    %shift_left3A_186 = arith.shli %xor3A_182, %shift_left3A_185 : vector<64x8192xi32>
    %shift_right_logical3A_187 = arith.constant 6 : i32
    %shift_right_logical3A_188 = vector.broadcast %shift_right_logical3A_187 : i32 to vector<64x8192xi32>
    %shift_right_logical3A_189 = arith.shrui %xor3A_182, %shift_right_logical3A_188 : vector<64x8192xi32>
    %or3A_190 = arith.ori %shift_left3A_186, %shift_right_logical3A_189 : vector<64x8192xi32>
    %xor3A_191 = arith.xori %or3A_190, %add3A_183 : vector<64x8192xi32>
    %add3A_192 = arith.addi %add3A_183, %xor3A_191 : vector<64x8192xi32>
    %shift_left3A_193 = arith.constant 6 : i32
    %shift_left3A_194 = vector.broadcast %shift_left3A_193 : i32 to vector<64x8192xi32>
    %shift_left3A_195 = arith.shli %xor3A_191, %shift_left3A_194 : vector<64x8192xi32>
    %shift_right_logical3A_196 = arith.constant 26 : i32
    %shift_right_logical3A_197 = vector.broadcast %shift_right_logical3A_196 : i32 to vector<64x8192xi32>
    %shift_right_logical3A_198 = arith.shrui %xor3A_191, %shift_right_logical3A_197 : vector<64x8192xi32>
    %or3A_199 = arith.ori %shift_left3A_195, %shift_right_logical3A_198 : vector<64x8192xi32>
    %xor3A_200 = arith.xori %or3A_199, %add3A_192 : vector<64x8192xi32>
    %add3A_201 = vector.broadcast %get3A_61 : vector<1x1xi32> to vector<64x8192xi32>
    %add3A_202 = arith.addi %add3A_192, %add3A_201 : vector<64x8192xi32>
    %add3A_203 = arith.constant 3 : i32
    %add3A_204 = vector.broadcast %add3A_203 : i32 to vector<1x1xi32>
    %add3A_205 = arith.addi %get3A_64, %add3A_204 : vector<1x1xi32>
    %add3A_206 = vector.broadcast %add3A_205 : vector<1x1xi32> to vector<64x8192xi32>
    %add3A_207 = arith.addi %xor3A_200, %add3A_206 : vector<64x8192xi32>
    %add3A_208 = arith.addi %add3A_202, %add3A_207 : vector<64x8192xi32>
    %shift_left3A_209 = arith.constant 17 : i32
    %shift_left3A_210 = vector.broadcast %shift_left3A_209 : i32 to vector<64x8192xi32>
    %shift_left3A_211 = arith.shli %add3A_207, %shift_left3A_210 : vector<64x8192xi32>
    %shift_right_logical3A_212 = arith.constant 15 : i32
    %shift_right_logical3A_213 = vector.broadcast %shift_right_logical3A_212 : i32 to vector<64x8192xi32>
    %shift_right_logical3A_214 = arith.shrui %add3A_207, %shift_right_logical3A_213 : vector<64x8192xi32>
    %or3A_215 = arith.ori %shift_left3A_211, %shift_right_logical3A_214 : vector<64x8192xi32>
    %xor3A_216 = arith.xori %or3A_215, %add3A_208 : vector<64x8192xi32>
    %add3A_217 = arith.addi %add3A_208, %xor3A_216 : vector<64x8192xi32>
    %shift_left3A_218 = arith.constant 29 : i32
    %shift_left3A_219 = vector.broadcast %shift_left3A_218 : i32 to vector<64x8192xi32>
    %shift_left3A_220 = arith.shli %xor3A_216, %shift_left3A_219 : vector<64x8192xi32>
    %shift_right_logical3A_221 = arith.constant 3 : i32
    %shift_right_logical3A_222 = vector.broadcast %shift_right_logical3A_221 : i32 to vector<64x8192xi32>
    %shift_right_logical3A_223 = arith.shrui %xor3A_216, %shift_right_logical3A_222 : vector<64x8192xi32>
    %or3A_224 = arith.ori %shift_left3A_220, %shift_right_logical3A_223 : vector<64x8192xi32>
    %xor3A_225 = arith.xori %or3A_224, %add3A_217 : vector<64x8192xi32>
    %add3A_226 = arith.addi %add3A_217, %xor3A_225 : vector<64x8192xi32>
    %shift_left3A_227 = arith.constant 16 : i32
    %shift_left3A_228 = vector.broadcast %shift_left3A_227 : i32 to vector<64x8192xi32>
    %shift_left3A_229 = arith.shli %xor3A_225, %shift_left3A_228 : vector<64x8192xi32>
    %shift_right_logical3A_230 = arith.constant 16 : i32
    %shift_right_logical3A_231 = vector.broadcast %shift_right_logical3A_230 : i32 to vector<64x8192xi32>
    %shift_right_logical3A_232 = arith.shrui %xor3A_225, %shift_right_logical3A_231 : vector<64x8192xi32>
    %or3A_233 = arith.ori %shift_left3A_229, %shift_right_logical3A_232 : vector<64x8192xi32>
    %xor3A_234 = arith.xori %or3A_233, %add3A_226 : vector<64x8192xi32>
    %add3A_235 = arith.addi %add3A_226, %xor3A_234 : vector<64x8192xi32>
    %shift_left3A_236 = arith.constant 24 : i32
    %shift_left3A_237 = vector.broadcast %shift_left3A_236 : i32 to vector<64x8192xi32>
    %shift_left3A_238 = arith.shli %xor3A_234, %shift_left3A_237 : vector<64x8192xi32>
    %shift_right_logical3A_239 = arith.constant 8 : i32
    %shift_right_logical3A_240 = vector.broadcast %shift_right_logical3A_239 : i32 to vector<64x8192xi32>
    %shift_right_logical3A_241 = arith.shrui %xor3A_234, %shift_right_logical3A_240 : vector<64x8192xi32>
    %or3A_242 = arith.ori %shift_left3A_238, %shift_right_logical3A_241 : vector<64x8192xi32>
    %xor3A_243 = arith.xori %or3A_242, %add3A_235 : vector<64x8192xi32>
    %add3A_244 = vector.broadcast %get3A_64 : vector<1x1xi32> to vector<64x8192xi32>
    %add3A_245 = arith.addi %add3A_235, %add3A_244 : vector<64x8192xi32>
    %add3A_246 = arith.constant 4 : i32
    %add3A_247 = vector.broadcast %add3A_246 : i32 to vector<1x1xi32>
    %add3A_248 = arith.addi %xor3A_69, %add3A_247 : vector<1x1xi32>
    %add3A_249 = vector.broadcast %add3A_248 : vector<1x1xi32> to vector<64x8192xi32>
    %add3A_250 = arith.addi %xor3A_243, %add3A_249 : vector<64x8192xi32>
    %add3A_251 = arith.addi %add3A_245, %add3A_250 : vector<64x8192xi32>
    %shift_left3A_252 = arith.constant 13 : i32
    %shift_left3A_253 = vector.broadcast %shift_left3A_252 : i32 to vector<64x8192xi32>
    %shift_left3A_254 = arith.shli %add3A_250, %shift_left3A_253 : vector<64x8192xi32>
    %shift_right_logical3A_255 = arith.constant 19 : i32
    %shift_right_logical3A_256 = vector.broadcast %shift_right_logical3A_255 : i32 to vector<64x8192xi32>
    %shift_right_logical3A_257 = arith.shrui %add3A_250, %shift_right_logical3A_256 : vector<64x8192xi32>
    %or3A_258 = arith.ori %shift_left3A_254, %shift_right_logical3A_257 : vector<64x8192xi32>
    %xor3A_259 = arith.xori %or3A_258, %add3A_251 : vector<64x8192xi32>
    %add3A_260 = arith.addi %add3A_251, %xor3A_259 : vector<64x8192xi32>
    %shift_left3A_261 = arith.constant 15 : i32
    %shift_left3A_262 = vector.broadcast %shift_left3A_261 : i32 to vector<64x8192xi32>
    %shift_left3A_263 = arith.shli %xor3A_259, %shift_left3A_262 : vector<64x8192xi32>
    %shift_right_logical3A_264 = arith.constant 17 : i32
    %shift_right_logical3A_265 = vector.broadcast %shift_right_logical3A_264 : i32 to vector<64x8192xi32>
    %shift_right_logical3A_266 = arith.shrui %xor3A_259, %shift_right_logical3A_265 : vector<64x8192xi32>
    %or3A_267 = arith.ori %shift_left3A_263, %shift_right_logical3A_266 : vector<64x8192xi32>
    %xor3A_268 = arith.xori %or3A_267, %add3A_260 : vector<64x8192xi32>
    %add3A_269 = arith.addi %add3A_260, %xor3A_268 : vector<64x8192xi32>
    %shift_left3A_270 = arith.constant 26 : i32
    %shift_left3A_271 = vector.broadcast %shift_left3A_270 : i32 to vector<64x8192xi32>
    %shift_left3A_272 = arith.shli %xor3A_268, %shift_left3A_271 : vector<64x8192xi32>
    %shift_right_logical3A_273 = arith.constant 6 : i32
    %shift_right_logical3A_274 = vector.broadcast %shift_right_logical3A_273 : i32 to vector<64x8192xi32>
    %shift_right_logical3A_275 = arith.shrui %xor3A_268, %shift_right_logical3A_274 : vector<64x8192xi32>
    %or3A_276 = arith.ori %shift_left3A_272, %shift_right_logical3A_275 : vector<64x8192xi32>
    %xor3A_277 = arith.xori %or3A_276, %add3A_269 : vector<64x8192xi32>
    %add3A_278 = arith.addi %add3A_269, %xor3A_277 : vector<64x8192xi32>
    %shift_left3A_279 = arith.constant 6 : i32
    %shift_left3A_280 = vector.broadcast %shift_left3A_279 : i32 to vector<64x8192xi32>
    %shift_left3A_281 = arith.shli %xor3A_277, %shift_left3A_280 : vector<64x8192xi32>
    %shift_right_logical3A_282 = arith.constant 26 : i32
    %shift_right_logical3A_283 = vector.broadcast %shift_right_logical3A_282 : i32 to vector<64x8192xi32>
    %shift_right_logical3A_284 = arith.shrui %xor3A_277, %shift_right_logical3A_283 : vector<64x8192xi32>
    %or3A_285 = arith.ori %shift_left3A_281, %shift_right_logical3A_284 : vector<64x8192xi32>
    %xor3A_286 = arith.xori %or3A_285, %add3A_278 : vector<64x8192xi32>
    %add3A_287 = vector.broadcast %xor3A_69 : vector<1x1xi32> to vector<64x8192xi32>
    %add3A_288 = arith.addi %add3A_278, %add3A_287 : vector<64x8192xi32>
    %add3A_289 = arith.constant 5 : i32
    %add3A_290 = vector.broadcast %add3A_289 : i32 to vector<1x1xi32>
    %add3A_291 = arith.addi %get3A_61, %add3A_290 : vector<1x1xi32>
    %add3A_292 = vector.broadcast %add3A_291 : vector<1x1xi32> to vector<64x8192xi32>
    %add3A_293 = arith.addi %xor3A_286, %add3A_292 : vector<64x8192xi32>
    %xor3A_294 = arith.xori %add3A_288, %add3A_293 : vector<64x8192xi32>
    %shift_right_logical3A_295 = arith.constant 9 : i32
    %shift_right_logical3A_296 = vector.broadcast %shift_right_logical3A_295 : i32 to vector<64x8192xi32>
    %shift_right_logical3A_297 = arith.shrui %xor3A_294, %shift_right_logical3A_296 : vector<64x8192xi32>
    %or3A_298 = arith.constant 1065353216 : i32
    %or3A_299 = vector.broadcast %or3A_298 : i32 to vector<64x8192xi32>
    %or3A_300 = arith.ori %shift_right_logical3A_297, %or3A_299 : vector<64x8192xi32>
    %bitcast_convert_type3A = tpu.bitcast %or3A_300 : vector<64x8192xi32> -> vector<64x8192xf32>
    %sub3A_301 = arith.constant 1.000000e+00 : f32
    %sub3A_302 = vector.broadcast %sub3A_301 : f32 to vector<64x8192xf32>
    %sub3A_303 = arith.subf %bitcast_convert_type3A, %sub3A_302 : vector<64x8192xf32>
    %sub3A_304 = arith.constant 1.000000e+00 : f32
    %sub3A_305 = arith.constant 1.17549435E-38 : f32
    %sub3A_306 = arith.subf %sub3A_304, %sub3A_305 : f32
    %mul3A_307 = vector.broadcast %sub3A_306 : f32 to vector<64x8192xf32>
    %mul3A_308 = arith.mulf %sub3A_303, %mul3A_307 : vector<64x8192xf32>
    %add3A_309 = arith.constant 1.17549435E-38 : f32
    %add3A_310 = vector.broadcast %add3A_309 : f32 to vector<64x8192xf32>
    %add3A_311 = arith.addf %mul3A_308, %add3A_310 : vector<64x8192xf32>
    %max3A = arith.constant 1.17549435E-38 : f32
    %max3A_312 = vector.broadcast %max3A : f32 to vector<64x8192xf32>
    %max3A_313 = arith.maximumf %max3A_312, %add3A_311 : vector<64x8192xf32>
    %log3A = math.log %max3A_313 : vector<64x8192xf32>
    %neg3A = arith.constant 0.000000e+00 : f32
    %neg3A_314 = vector.broadcast %neg3A : f32 to vector<64x8192xf32>
    %neg3A_315 = arith.subf %neg3A_314, %log3A : vector<64x8192xf32>
    %log3A_316 = math.log %neg3A_315 : vector<64x8192xf32>
    %neg3A_317 = arith.constant 0.000000e+00 : f32
    %neg3A_318 = vector.broadcast %neg3A_317 : f32 to vector<64x8192xf32>
    %neg3A_319 = arith.subf %neg3A_318, %log3A_316 : vector<64x8192xf32>
    %add3A_320 = arith.addf %select_n3A_58, %neg3A_319 : vector<64x8192xf32>
    %reduce_max3A = arith.constant dense<0xFF800000> : vector<64xf32>
    %reduce_max3A_321 = vector.multi_reduction <maximumf>, %add3A_320, %reduce_max3A [1] : vector<64x8192xf32> to vector<64xf32>
    %broadcast_in_dim3A_322 = vector.shape_cast %reduce_max3A_321 : vector<64xf32> to vector<64x1xf32>
    %eq3A_323 = vector.broadcast %broadcast_in_dim3A_322 : vector<64x1xf32> to vector<64x8192xf32>
    %eq3A_324 = arith.cmpf oeq, %add3A_320, %eq3A_323 : vector<64x8192xf32>
    %jit3A_325 = arith.constant 1073741824 : i32
    %broadcast_in_dim3A_326 = vector.broadcast %jit3A_325 : i32 to vector<64x8192xi32>
    %select_n3A_327 = arith.select %eq3A_324, %iota3A, %broadcast_in_dim3A_326 : vector<64x8192xi1>, vector<64x8192xi32>
    %reduce_min3A = arith.constant dense<2147483647> : vector<64xi32>
    %reduce_min3A_328 = vector.multi_reduction <minsi>, %select_n3A_327, %reduce_min3A [1] : vector<64x8192xi32> to vector<64xi32>
    %broadcast_in_dim3A_329 = vector.shape_cast %reduce_min3A_328 : vector<64xi32> to vector<64x1xi32>
    %eq3A_330 = vector.broadcast %broadcast_in_dim3A_329 : vector<64x1xi32> to vector<64x8192xi32>
    %eq3A_331 = arith.cmpi eq, %iota3A, %eq3A_330 : vector<64x8192xi32>
    %jit3A_332 = arith.constant 0.000000e+00 : f32
    %broadcast_in_dim3A_333 = vector.broadcast %jit3A_332 : f32 to vector<64x8192xf32>
    %select_n3A_334 = arith.select %eq3A_331, %select_n3A_58, %broadcast_in_dim3A_333 : vector<64x8192xi1>, vector<64x8192xf32>
    %reduce_sum3A = arith.constant dense<0.000000e+00> : vector<64xf32>
    %reduce_sum3A_335 = vector.multi_reduction <add>, %select_n3A_334, %reduce_sum3A [1] : vector<64x8192xf32> to vector<64xf32>
    %broadcast_in_dim3A_336 = vector.shape_cast %reduce_sum3A_335 : vector<64xf32> to vector<64x1xf32>
    %get3A_337 = arith.constant 0 : index
    %get3A_338 = arith.constant 0 : index
    %get3A_339 = vector.load %arg11[%get3A_337, %get3A_338] : memref<64x1xf32, #tpu.memory_space<vmem>>, vector<64x1xf32>
    %gt3A = arith.cmpf ogt, %broadcast_in_dim3A_322, %get3A_339 : vector<64x1xf32>
    %mul3A_340 = arith.constant 8192 : i32
    %mul3A_341 = arith.muli %arg0, %mul3A_340 : i32
    %add3A_342 = vector.broadcast %mul3A_341 : i32 to vector<64x1xi32>
    %add3A_343 = arith.addi %broadcast_in_dim3A_329, %add3A_342 : vector<64x1xi32>
    %get3A_344 = arith.constant 0 : index
    %get3A_345 = arith.constant 0 : index
    %get3A_346 = vector.load %arg12[%get3A_344, %get3A_345] : memref<64x1xi32, #tpu.memory_space<vmem>>, vector<64x1xi32>
    %select_n3A_347 = arith.select %gt3A, %add3A_343, %get3A_346 : vector<64x1xi1>, vector<64x1xi32>
    %swap3A = arith.constant 0 : index
    %swap3A_348 = arith.constant 0 : index
    %swap3A_349 = vector.load %arg12[%swap3A, %swap3A_348] : memref<64x1xi32, #tpu.memory_space<vmem>>, vector<64x1xi32>
    tpu.vector_store %arg12[%swap3A, %swap3A_348], %select_n3A_347 {strides = array<i32>} : memref<64x1xi32, #tpu.memory_space<vmem>>, vector<64x1xi32>,
    %get3A_350 = arith.constant 0 : index
    %get3A_351 = arith.constant 0 : index
    %get3A_352 = vector.load %arg13[%get3A_350, %get3A_351] : memref<64x1xf32, #tpu.memory_space<vmem>>, vector<64x1xf32>
    %select_n3A_353 = arith.select %gt3A, %broadcast_in_dim3A_336, %get3A_352 : vector<64x1xi1>, vector<64x1xf32>
    %swap3A_354 = arith.constant 0 : index
    %swap3A_355 = arith.constant 0 : index
    %swap3A_356 = vector.load %arg13[%swap3A_354, %swap3A_355] : memref<64x1xf32, #tpu.memory_space<vmem>>, vector<64x1xf32>
    tpu.vector_store %arg13[%swap3A_354, %swap3A_355], %select_n3A_353 {strides = array<i32>} : memref<64x1xf32, #tpu.memory_space<vmem>>, vector<64x1xf32>,
    %get3A_357 = arith.constant 0 : index
    %get3A_358 = arith.constant 0 : index
    %get3A_359 = vector.load %arg11[%get3A_357, %get3A_358] : memref<64x1xf32, #tpu.memory_space<vmem>>, vector<64x1xf32>
    %select_n3A_360 = arith.select %gt3A, %broadcast_in_dim3A_322, %get3A_359 : vector<64x1xi1>, vector<64x1xf32>
    %swap3A_361 = arith.constant 0 : index
    %swap3A_362 = arith.constant 0 : index
    %swap3A_363 = vector.load %arg11[%swap3A_361, %swap3A_362] : memref<64x1xf32, #tpu.memory_space<vmem>>, vector<64x1xf32>
    tpu.vector_store %arg11[%swap3A_361, %swap3A_362], %select_n3A_360 {strides = array<i32>} : memref<64x1xf32, #tpu.memory_space<vmem>>, vector<64x1xf32>,
    %reduce_max3A_364 = arith.constant dense<0xFF800000> : vector<64xf32>
    %reduce_max3A_365 = vector.multi_reduction <maximumf>, %select_n3A_58, %reduce_max3A_364 [1] : vector<64x8192xf32> to vector<64xf32>
    %broadcast_in_dim3A_366 = vector.shape_cast %reduce_max3A_365 : vector<64xf32> to vector<64x1xf32>
    %get3A_367 = arith.constant 0 : index
    %get3A_368 = arith.constant 0 : index
    %get3A_369 = vector.load %arg14[%get3A_367, %get3A_368] : memref<64x1xf32, #tpu.memory_space<vmem>>, vector<64x1xf32>
    %max3A_370 = arith.maximumf %get3A_369, %broadcast_in_dim3A_366 : vector<64x1xf32>
    %get3A_371 = arith.constant 0 : index
    %get3A_372 = arith.constant 0 : index
    %get3A_373 = vector.load %arg15[%get3A_371, %get3A_372] : memref<64x1xf32, #tpu.memory_space<vmem>>, vector<64x1xf32>
    %get3A_374 = arith.constant 0 : index
    %get3A_375 = arith.constant 0 : index
    %get3A_376 = vector.load %arg14[%get3A_374, %get3A_375] : memref<64x1xf32, #tpu.memory_space<vmem>>, vector<64x1xf32>
    %sub3A_377 = arith.subf %get3A_376, %max3A_370 : vector<64x1xf32>
    %exp3A = math.exp %sub3A_377 : vector<64x1xf32>
    %mul3A_378 = arith.mulf %get3A_373, %exp3A : vector<64x1xf32>
    %sub3A_379 = vector.broadcast %max3A_370 : vector<64x1xf32> to vector<64x8192xf32>
    %sub3A_380 = arith.subf %select_n3A_58, %sub3A_379 : vector<64x8192xf32>
    %exp3A_381 = math.exp %sub3A_380 : vector<64x8192xf32>
    %reduce_sum3A_382 = arith.constant dense<0.000000e+00> : vector<64xf32>
    %reduce_sum3A_383 = vector.multi_reduction <add>, %exp3A_381, %reduce_sum3A_382 [1] : vector<64x8192xf32> to vector<64xf32>
    %broadcast_in_dim3A_384 = vector.shape_cast %reduce_sum3A_383 : vector<64xf32> to vector<64x1xf32>
    %add3A_385 = arith.addf %mul3A_378, %broadcast_in_dim3A_384 : vector<64x1xf32>
    %swap3A_386 = arith.constant 0 : index
    %swap3A_387 = arith.constant 0 : index
    %swap3A_388 = vector.load %arg15[%swap3A_386, %swap3A_387] : memref<64x1xf32, #tpu.memory_space<vmem>>, vector<64x1xf32>
    tpu.vector_store %arg15[%swap3A_386, %swap3A_387], %add3A_385 {strides = array<i32>} : memref<64x1xf32, #tpu.memory_space<vmem>>, vector<64x1xf32>,
    %swap3A_389 = arith.constant 0 : index
    %swap3A_390 = arith.constant 0 : index
    %swap3A_391 = vector.load %arg14[%swap3A_389, %swap3A_390] : memref<64x1xf32, #tpu.memory_space<vmem>>, vector<64x1xf32>
    tpu.vector_store %arg14[%swap3A_389, %swap3A_390], %max3A_370 {strides = array<i32>} : memref<64x1xf32, #tpu.memory_space<vmem>>, vector<64x1xf32>,
    %eq3A_392 = arith.constant 15 : i32
    %eq3A_393 = arith.cmpi eq, %arg0, %eq3A_392 : i32
    %convert_element_type3A_394 = arith.extui %eq3A_393 : i1 to i32
    %cond3A_395 = arith.constant 0 : i32
    %cond3A_396 = arith.cmpi ne, %convert_element_type3A_394, %cond3A_395 : i32
    scf.if %cond3A_396 {
      %get3A_397 = arith.constant 0 : index
      %get3A_398 = arith.constant 0 : index
      %get3A_399 = vector.load %arg12[%get3A_397, %get3A_398] : memref<64x1xi32, #tpu.memory_space<vmem>>, vector<64x1xi32>
      %get3A_400 = arith.constant 0 : index
      %get3A_401 = arith.constant 0 : index
      %get3A_402 = vector.load %arg14[%get3A_400, %get3A_401] : memref<64x1xf32, #tpu.memory_space<vmem>>, vector<64x1xf32>
      %get3A_403 = arith.constant 0 : index
      %get3A_404 = arith.constant 0 : index
      %get3A_405 = vector.load %arg15[%get3A_403, %get3A_404] : memref<64x1xf32, #tpu.memory_space<vmem>>, vector<64x1xf32>
      %log3A_406 = math.log %get3A_405 : vector<64x1xf32>
      %add3A_407 = arith.addf %get3A_402, %log3A_406 : vector<64x1xf32>
      %get3A_408 = arith.constant 0 : index
      %get3A_409 = arith.constant 0 : index
      %get3A_410 = vector.load %arg13[%get3A_408, %get3A_409] : memref<64x1xf32, #tpu.memory_space<vmem>>, vector<64x1xf32>
      %sub3A_411 = arith.subf %get3A_410, %add3A_407 : vector<64x1xf32>
      %swap3A_412 = arith.constant 0 : index
      %swap3A_413 = arith.constant 0 : index
      %swap3A_414 = vector.load %arg10[%swap3A_412, %swap3A_413] : memref<64x1xf32, #tpu.memory_space<vmem>>, vector<64x1xf32>
      tpu.vector_store %arg10[%swap3A_412, %swap3A_413], %sub3A_411 {strides = array<i32>} : memref<64x1xf32, #tpu.memory_space<vmem>>, vector<64x1xf32>,
      %jit3A_415 = arith.constant 64 : i32
      %div3A = vector.broadcast %jit3A_415 : i32 to vector<64x1xi32>
      %div3A_416 = arith.divsi %get3A_399, %div3A : vector<64x1xi32>
      %sign3A = arith.constant 0 : i32
      %sign3A_417 = vector.broadcast %sign3A : i32 to vector<64x1xi32>
      %sign3A_418 = arith.cmpi sgt, %get3A_399, %sign3A_417 : vector<64x1xi32>
      %sign3A_419 = arith.extui %sign3A_418 : vector<64x1xi1> to vector<64x1xi32>
      %sign3A_420 = arith.constant 0 : i32
      %sign3A_421 = vector.broadcast %sign3A_420 : i32 to vector<64x1xi32>
      %sign3A_422 = arith.cmpi slt, %get3A_399, %sign3A_421 : vector<64x1xi32>
      %sign3A_423 = arith.extui %sign3A_422 : vector<64x1xi1> to vector<64x1xi32>
      %sign3A_424 = arith.subi %sign3A_419, %sign3A_423 : vector<64x1xi32>
      %sign3A_425 = arith.constant 0 : i32
      %sign3A_426 = arith.cmpi sgt, %jit3A_415, %sign3A_425 : i32
      %sign3A_427 = arith.extui %sign3A_426 : i1 to i32
      %sign3A_428 = arith.constant 0 : i32
      %sign3A_429 = arith.cmpi slt, %jit3A_415, %sign3A_428 : i32
      %sign3A_430 = arith.extui %sign3A_429 : i1 to i32
      %sign3A_431 = arith.subi %sign3A_427, %sign3A_430 : i32
      %ne3A_432 = vector.broadcast %sign3A_431 : i32 to vector<64x1xi32>
      %ne3A_433 = arith.cmpi ne, %sign3A_424, %ne3A_432 : vector<64x1xi32>
      %rem3A_434 = vector.broadcast %jit3A_415 : i32 to vector<64x1xi32>
      %rem3A_435 = arith.remsi %get3A_399, %rem3A_434 : vector<64x1xi32>
      %ne3A_436 = arith.constant 0 : i32
      %ne3A_437 = vector.broadcast %ne3A_436 : i32 to vector<64x1xi32>
      %ne3A_438 = arith.cmpi ne, %rem3A_435, %ne3A_437 : vector<64x1xi32>
      %and3A_439 = arith.andi %ne3A_433, %ne3A_438 : vector<64x1xi1>
      %sub3A_440 = arith.constant 1 : i32
      %sub3A_441 = vector.broadcast %sub3A_440 : i32 to vector<64x1xi32>
      %sub3A_442 = arith.subi %div3A_416, %sub3A_441 : vector<64x1xi32>
      %select_n3A_443 = arith.select %and3A_439, %sub3A_442, %div3A_416 : vector<64x1xi1>, vector<64x1xi32>
      %iota3A_444 = tpu.iota {dimensions = array<i32: 1>} : vector<64x2048xi32>
      %eq3A_445 = vector.broadcast %select_n3A_443 : vector<64x1xi32> to vector<64x2048xi32>
      %eq3A_446 = arith.cmpi eq, %iota3A_444, %eq3A_445 : vector<64x2048xi32>
      %get3A_447 = arith.constant 0 : index
      %get3A_448 = arith.constant 0 : index
      %get3A_449 = vector.load %arg4[%get3A_447, %get3A_448] : memref<64x2048xi32, #tpu.memory_space<vmem>>, vector<64x2048xi32>
      %jit3A_450 = arith.constant 0 : i32
      %broadcast_in_dim3A_451 = vector.broadcast %jit3A_450 : i32 to vector<64x2048xi32>
      %select_n3A_452 = arith.select %eq3A_446, %get3A_449, %broadcast_in_dim3A_451 : vector<64x2048xi1>, vector<64x2048xi32>
      %reduce_sum3A_453 = arith.constant dense<0> : vector<64xi32>
      %reduce_sum3A_454 = vector.multi_reduction <add>, %select_n3A_452, %reduce_sum3A_453 [1] : vector<64x2048xi32> to vector<64xi32>
      %broadcast_in_dim3A_455 = vector.shape_cast %reduce_sum3A_454 : vector<64xi32> to vector<64x1xi32>
      %swap3A_456 = arith.constant 0 : index
      %swap3A_457 = arith.constant 0 : index
      %swap3A_458 = vector.load %arg8[%swap3A_456, %swap3A_457] : memref<64x1xi32, #tpu.memory_space<vmem>>, vector<64x1xi32>
      tpu.vector_store %arg8[%swap3A_456, %swap3A_457], %get3A_399 {strides = array<i32>} : memref<64x1xi32, #tpu.memory_space<vmem>>, vector<64x1xi32>,
      %mul3A_459 = arith.constant 64 : i32
      %mul3A_460 = vector.broadcast %mul3A_459 : i32 to vector<64x1xi32>
      %mul3A_461 = arith.muli %select_n3A_443, %mul3A_460 : vector<64x1xi32>
      %add3A_462 = arith.addi %mul3A_461, %broadcast_in_dim3A_455 : vector<64x1xi32>
      %swap3A_463 = arith.constant 0 : index
      %swap3A_464 = arith.constant 0 : index
      %swap3A_465 = vector.load %arg9[%swap3A_463, %swap3A_464] : memref<64x1xi32, #tpu.memory_space<vmem>>, vector<64x1xi32>
      tpu.vector_store %arg9[%swap3A_463, %swap3A_464], %add3A_462 {strides = array<i32>} : memref<64x1xi32, #tpu.memory_space<vmem>>, vector<64x1xi32>,
    } else {
    }
    return
  }
  func.func @transform_0(%arg0: i32) -> (i32, i32) {
    %c0_i32 = arith.constant 0 : i32
    %c0_i32_0 = arith.constant 0 : i32
    return %arg0, %c0_i32 : i32, i32
  }
  func.func @transform_1(%arg0: i32) -> (i32, i32, i32) {
    %c0_i32 = arith.constant 0 : i32
    %c0_i32_0 = arith.constant 0 : i32
    %c0_i32_1 = arith.constant 0 : i32
    return %arg0, %c0_i32, %c0_i32_0 : i32, i32, i32
  }
  func.func @transform_2(%arg0: i32) -> (i32, i32) {
    %c0_i32 = arith.constant 0 : i32
    %c0_i32_0 = arith.constant 0 : i32
    %c0_i32_1 = arith.constant 0 : i32
    return %c0_i32, %c0_i32_0 : i32, i32
  }
  func.func @transform_3(%arg0: i32) -> (i32, i32) {
    %c0_i32 = arith.constant 0 : i32
    %c0_i32_0 = arith.constant 0 : i32
    %c0_i32_1 = arith.constant 0 : i32
    return %c0_i32, %c0_i32_0 : i32, i32
  }
  func.func @transform_4(%arg0: i32) -> (i32, i32) {
    %c0_i32 = arith.constant 0 : i32
    %c0_i32_0 = arith.constant 0 : i32
    %c0_i32_1 = arith.constant 0 : i32
    return %c0_i32, %c0_i32_0 : i32, i32
  }
  func.func @transform_5(%arg0: i32) -> (i32, i32) {
    %c0_i32 = arith.constant 0 : i32
    %c0_i32_0 = arith.constant 0 : i32
    %c0_i32_1 = arith.constant 0 : i32
    return %c0_i32, %c0_i32_0 : i32, i32
  }
  func.func @transform_6(%arg0: i32) -> (i32, i32) {
    %c0_i32 = arith.constant 0 : i32
    %c0_i32_0 = arith.constant 0 : i32
    %c0_i32_1 = arith.constant 0 : i32
    return %c0_i32, %c0_i32_0 : i32, i32
  }
  func.func @transform_7(%arg0: i32) -> (i32, i32) {
    %c0_i32 = arith.constant 0 : i32
    %c0_i32_0 = arith.constant 0 : i32
    %c0_i32_1 = arith.constant 0 : i32
    return %c0_i32, %c0_i32_0 : i32, i32
  }
  func.func @transform_8(%arg0: i32) -> (i32, i32) {
    %c0_i32 = arith.constant 0 : i32
    %c0_i32_0 = arith.constant 0 : i32
    %c0_i32_1 = arith.constant 0 : i32
    return %c0_i32, %c0_i32_0 : i32, i32
  }
  func.func @transform_9(%arg0: i32) -> (i32, i32) {
    %c0_i32 = arith.constant 0 : i32
    %c0_i32_0 = arith.constant 0 : i32
    %c0_i32_1 = arith.constant 0 : i32
    return %c0_i32, %c0_i32_0 : i32, i32
  }
}

module attributes {stable_mosaic.version = 14 : i64} {
  func.func @_po_body(%arg0: i32, %arg1: memref<64x128xi32, #tpu.memory_space<vmem>>, %arg2: memref<64x1xi32, #tpu.memory_space<vmem>>, %arg3: memref<64x1xf32, #tpu.memory_space<vmem>>, %arg4: memref<64x128x64xf32, #tpu.memory_space<vmem>>) attributes {dimension_semantics = [#tpu.dimension_semantics<arbitrary>], iteration_bounds = array<i64: 16>, scalar_prefetch = 0 : i64, scratch_operands = 0 : i64, tpu.core_type = #tpu.core_type<tc>, window_params = [{transform_indices = @transform_0, window_bounds = array<i64: 64, 128>}, {pipeline_mode = #tpu.pipeline_mode<synchronous>, transform_indices = @transform_1, window_bounds = array<i64: 64, 1>}, {pipeline_mode = #tpu.pipeline_mode<synchronous>, transform_indices = @transform_2, window_bounds = array<i64: 64, 1>}, {transform_indices = @transform_3, window_bounds = array<i64: 64, 128, 64>}]} {
    %get3A = arith.constant 0 : index
    %get3A_0 = arith.constant 0 : index
    %get3A_1 = vector.load %arg2[%get3A, %get3A_0] : memref<64x1xi32, #tpu.memory_space<vmem>>, vector<64x1xi32>
    %jit3A = arith.constant 64 : i32
    %div3A = vector.broadcast %jit3A : i32 to vector<64x1xi32>
    %div3A_2 = arith.divsi %get3A_1, %div3A : vector<64x1xi32>
    %sign3A = arith.constant 0 : i32
    %sign3A_3 = vector.broadcast %sign3A : i32 to vector<64x1xi32>
    %sign3A_4 = arith.cmpi sgt, %get3A_1, %sign3A_3 : vector<64x1xi32>
    %sign3A_5 = arith.extui %sign3A_4 : vector<64x1xi1> to vector<64x1xi32>
    %sign3A_6 = arith.constant 0 : i32
    %sign3A_7 = vector.broadcast %sign3A_6 : i32 to vector<64x1xi32>
    %sign3A_8 = arith.cmpi slt, %get3A_1, %sign3A_7 : vector<64x1xi32>
    %sign3A_9 = arith.extui %sign3A_8 : vector<64x1xi1> to vector<64x1xi32>
    %sign3A_10 = arith.subi %sign3A_5, %sign3A_9 : vector<64x1xi32>
    %sign3A_11 = arith.constant 0 : i32
    %sign3A_12 = arith.cmpi sgt, %jit3A, %sign3A_11 : i32
    %sign3A_13 = arith.extui %sign3A_12 : i1 to i32
    %sign3A_14 = arith.constant 0 : i32
    %sign3A_15 = arith.cmpi slt, %jit3A, %sign3A_14 : i32
    %sign3A_16 = arith.extui %sign3A_15 : i1 to i32
    %sign3A_17 = arith.subi %sign3A_13, %sign3A_16 : i32
    %ne3A = vector.broadcast %sign3A_17 : i32 to vector<64x1xi32>
    %ne3A_18 = arith.cmpi ne, %sign3A_10, %ne3A : vector<64x1xi32>
    %rem3A = vector.broadcast %jit3A : i32 to vector<64x1xi32>
    %rem3A_19 = arith.remsi %get3A_1, %rem3A : vector<64x1xi32>
    %ne3A_20 = arith.constant 0 : i32
    %ne3A_21 = vector.broadcast %ne3A_20 : i32 to vector<64x1xi32>
    %ne3A_22 = arith.cmpi ne, %rem3A_19, %ne3A_21 : vector<64x1xi32>
    %and3A = arith.andi %ne3A_18, %ne3A_22 : vector<64x1xi1>
    %sub3A = arith.constant 1 : i32
    %sub3A_23 = vector.broadcast %sub3A : i32 to vector<64x1xi32>
    %sub3A_24 = arith.subi %div3A_2, %sub3A_23 : vector<64x1xi32>
    %select_n3A = arith.select %and3A, %sub3A_24, %div3A_2 : vector<64x1xi1>, vector<64x1xi32>
    %jit3A_25 = arith.constant 64 : i32
    %eq3A = arith.constant 0 : i32
    %eq3A_26 = arith.cmpi eq, %jit3A_25, %eq3A : i32
    %jit3A_27 = arith.constant 1 : i32
    %select_n3A_28 = arith.select %eq3A_26, %jit3A_27, %jit3A_25 : i32
    %rem3A_29 = vector.broadcast %select_n3A_28 : i32 to vector<64x1xi32>
    %rem3A_30 = arith.remsi %get3A_1, %rem3A_29 : vector<64x1xi32>
    %ne3A_31 = arith.constant 0 : i32
    %ne3A_32 = vector.broadcast %ne3A_31 : i32 to vector<64x1xi32>
    %ne3A_33 = arith.cmpi ne, %rem3A_30, %ne3A_32 : vector<64x1xi32>
    %lt3A = arith.constant 0 : i32
    %lt3A_34 = vector.broadcast %lt3A : i32 to vector<64x1xi32>
    %lt3A_35 = arith.cmpi slt, %rem3A_30, %lt3A_34 : vector<64x1xi32>
    %lt3A_36 = arith.constant 0 : i32
    %lt3A_37 = arith.cmpi slt, %select_n3A_28, %lt3A_36 : i32
    %ne3A_38 = vector.broadcast %lt3A_37 : i1 to vector<64x1xi1>
    %ne3A_39 = vector.broadcast %ne3A_38 : vector<64x1xi1> to vector<64x1xi1>
    %ne3A_40 = arith.xori %lt3A_35, %ne3A_39 : vector<64x1xi1>
    %and3A_41 = arith.andi %ne3A_40, %ne3A_33 : vector<64x1xi1>
    %add3A = vector.broadcast %select_n3A_28 : i32 to vector<64x1xi32>
    %add3A_42 = arith.addi %rem3A_30, %add3A : vector<64x1xi32>
    %select_n3A_43 = arith.select %and3A_41, %add3A_42, %rem3A_30 : vector<64x1xi1>, vector<64x1xi32>
    %get3A_44 = arith.constant 0 : index
    %get3A_45 = arith.constant 0 : index
    %get3A_46 = vector.load %arg3[%get3A_44, %get3A_45] : memref<64x1xf32, #tpu.memory_space<vmem>>, vector<64x1xf32>
    %gt3A = arith.constant 5.000000e-01 : f32
    %gt3A_47 = vector.broadcast %gt3A : f32 to vector<64x1xf32>
    %gt3A_48 = arith.cmpf ogt, %get3A_46, %gt3A_47 : vector<64x1xf32>
    %iota3A = tpu.iota {dimensions = array<i32: 1>} : vector<64x128xi32>
    %mul3A = arith.constant 128 : i32
    %mul3A_49 = arith.muli %arg0, %mul3A : i32
    %add3A_50 = vector.broadcast %mul3A_49 : i32 to vector<64x128xi32>
    %add3A_51 = arith.addi %iota3A, %add3A_50 : vector<64x128xi32>
    %eq3A_52 = vector.broadcast %select_n3A : vector<64x1xi32> to vector<64x128xi32>
    %eq3A_53 = arith.cmpi eq, %add3A_51, %eq3A_52 : vector<64x128xi32>
    %and3A_54 = vector.broadcast %gt3A_48 : vector<64x1xi1> to vector<64x128xi1>
    %and3A_55 = arith.andi %eq3A_53, %and3A_54 : vector<64x128xi1>
    %get3A_56 = arith.constant 0 : index
    %get3A_57 = arith.constant 0 : index
    %get3A_58 = vector.load %arg1[%get3A_56, %get3A_57] : memref<64x128xi32, #tpu.memory_space<vmem>>, vector<64x128xi32>
    %broadcast_in_dim3A = vector.shape_cast %select_n3A_43 : vector<64x1xi32> to vector<64x1xi32>
    %broadcast_in_dim3A_59 = vector.broadcast %broadcast_in_dim3A : vector<64x1xi32> to vector<64x128xi32>
    %select_n3A_60 = arith.select %and3A_55, %broadcast_in_dim3A_59, %get3A_58 : vector<64x128xi1>, vector<64x128xi32>
    %iota3A_61 = tpu.iota {dimensions = array<i32: 2>} : vector<64x128x64xi32>
    %broadcast_in_dim3A_62 = vector.shape_cast %select_n3A_60 : vector<64x128xi32> to vector<64x128x1xi32>
    %eq3A_63 = vector.broadcast %broadcast_in_dim3A_62 : vector<64x128x1xi32> to vector<64x128x64xi32>
    %eq3A_64 = arith.cmpi eq, %iota3A_61, %eq3A_63 : vector<64x128x64xi32>
    %convert_element_type3A = arith.extui %eq3A_64 : vector<64x128x64xi1> to vector<64x128x64xi32>
    %convert_element_type3A_65 = arith.sitofp %convert_element_type3A : vector<64x128x64xi32> to vector<64x128x64xf32>
    %swap3A = arith.constant 0 : index
    %swap3A_66 = arith.constant 0 : index
    %swap3A_67 = arith.constant 0 : index
    %swap3A_68 = vector.load %arg4[%swap3A, %swap3A_66, %swap3A_67] : memref<64x128x64xf32, #tpu.memory_space<vmem>>, vector<64x128x64xf32>
    tpu.vector_store %arg4[%swap3A, %swap3A_66, %swap3A_67], %convert_element_type3A_65 {strides = array<i32>} : memref<64x128x64xf32, #tpu.memory_space<vmem>>, vector<64x128x64xf32>,
    return
  }
  func.func @transform_0(%arg0: i32) -> (i32, i32) {
    %c0_i32 = arith.constant 0 : i32
    %c0_i32_0 = arith.constant 0 : i32
    return %c0_i32, %arg0 : i32, i32
  }
  func.func @transform_1(%arg0: i32) -> (i32, i32) {
    %c0_i32 = arith.constant 0 : i32
    %c0_i32_0 = arith.constant 0 : i32
    %c0_i32_1 = arith.constant 0 : i32
    return %c0_i32, %c0_i32_0 : i32, i32
  }
  func.func @transform_2(%arg0: i32) -> (i32, i32) {
    %c0_i32 = arith.constant 0 : i32
    %c0_i32_0 = arith.constant 0 : i32
    %c0_i32_1 = arith.constant 0 : i32
    return %c0_i32, %c0_i32_0 : i32, i32
  }
  func.func @transform_3(%arg0: i32) -> (i32, i32, i32) {
    %c0_i32 = arith.constant 0 : i32
    %c0_i32_0 = arith.constant 0 : i32
    %c0_i32_1 = arith.constant 0 : i32
    return %c0_i32, %arg0, %c0_i32_0 : i32, i32, i32
  }
}

module attributes {stable_mosaic.version = 14 : i64} {
  func.func @_pr_body(%arg0: i32, %arg1: memref<8192x32xf32, #tpu.memory_space<vmem>>, %arg2: memref<1x1x8192xf32, #tpu.memory_space<vmem>>, %arg3: memref<64x2048xi32, #tpu.memory_space<vmem>>, %arg4: memref<128x128xf32, #tpu.memory_space<vmem>>, %arg5: memref<128x128xf32, #tpu.memory_space<vmem>>, %arg6: memref<64x32xf32, #tpu.memory_space<vmem>>, %arg7: memref<64x1xi32, #tpu.memory_space<vmem>>, %arg8: memref<64x1xi32, #tpu.memory_space<vmem>>, %arg9: memref<64x1xf32, #tpu.memory_space<vmem>>, %arg10: memref<64x1xf32, #tpu.memory_space<vmem>>, %arg11: memref<128x8192xf32, #tpu.memory_space<vmem>>, %arg12: memref<8192x128xf32, #tpu.memory_space<vmem>>, %arg13: memref<64x1xf32, #tpu.memory_space<vmem>>, %arg14: memref<64x1xf32, #tpu.memory_space<vmem>>, %arg15: memref<64x1xf32, #tpu.memory_space<vmem>>, %arg16: memref<64x1xf32, #tpu.memory_space<vmem>>, %arg17: memref<64x32xf32, #tpu.memory_space<vmem>>) attributes {dimension_semantics = [#tpu.dimension_semantics<arbitrary>], iteration_bounds = array<i64: 16>, scalar_prefetch = 0 : i64, scratch_operands = 4 : i64, tpu.core_type = #tpu.core_type<tc>, window_params = [{transform_indices = @transform_0, window_bounds = array<i64: 8192, 32>}, {transform_indices = @transform_1, window_bounds = array<i64: 1, 1, 8192>}, {pipeline_mode = #tpu.pipeline_mode<synchronous>, transform_indices = @transform_2, window_bounds = array<i64: 64, 2048>}, {pipeline_mode = #tpu.pipeline_mode<synchronous>, transform_indices = @transform_3, window_bounds = array<i64: 128, 128>}, {pipeline_mode = #tpu.pipeline_mode<synchronous>, transform_indices = @transform_4, window_bounds = array<i64: 128, 128>}, {pipeline_mode = #tpu.pipeline_mode<synchronous>, transform_indices = @transform_5, window_bounds = array<i64: 64, 32>}, {pipeline_mode = #tpu.pipeline_mode<synchronous>, transform_indices = @transform_6, window_bounds = array<i64: 64, 1>}, {pipeline_mode = #tpu.pipeline_mode<synchronous>, transform_indices = @transform_7, window_bounds = array<i64: 64, 1>}, {pipeline_mode = #tpu.pipeline_mode<synchronous>, transform_indices = @transform_8, window_bounds = array<i64: 64, 1>}, {pipeline_mode = #tpu.pipeline_mode<synchronous>, transform_indices = @transform_9, window_bounds = array<i64: 64, 1>}, {pipeline_mode = #tpu.pipeline_mode<synchronous>, transform_indices = @transform_10, window_bounds = array<i64: 128, 8192>}, {pipeline_mode = #tpu.pipeline_mode<synchronous>, transform_indices = @transform_11, window_bounds = array<i64: 8192, 128>}, {pipeline_mode = #tpu.pipeline_mode<synchronous>, transform_indices = @transform_12, window_bounds = array<i64: 64, 1>}]} {
    %eq3A = arith.constant 0 : i32
    %eq3A_0 = arith.cmpi eq, %arg0, %eq3A : i32
    %convert_element_type3A = arith.extui %eq3A_0 : i1 to i32
    %cond3A = arith.constant 0 : i32
    %cond3A_1 = arith.cmpi ne, %convert_element_type3A, %cond3A : i32
    scf.if %cond3A_1 {
      %broadcast_in_dim3A_118 = arith.constant -3.000000e+38 : f32
      %broadcast_in_dim3A_119 = vector.broadcast %broadcast_in_dim3A_118 : f32 to vector<64x1xf32>
      %swap3A_120 = arith.constant 0 : index
      %swap3A_121 = arith.constant 0 : index
      %swap3A_122 = vector.load %arg14[%swap3A_120, %swap3A_121] : memref<64x1xf32, #tpu.memory_space<vmem>>, vector<64x1xf32>
      tpu.vector_store %arg14[%swap3A_120, %swap3A_121], %broadcast_in_dim3A_119 {strides = array<i32>} : memref<64x1xf32, #tpu.memory_space<vmem>>, vector<64x1xf32>,
      %broadcast_in_dim3A_123 = arith.constant 0.000000e+00 : f32
      %broadcast_in_dim3A_124 = vector.broadcast %broadcast_in_dim3A_123 : f32 to vector<64x1xf32>
      %swap3A_125 = arith.constant 0 : index
      %swap3A_126 = arith.constant 0 : index
      %swap3A_127 = vector.load %arg15[%swap3A_125, %swap3A_126] : memref<64x1xf32, #tpu.memory_space<vmem>>, vector<64x1xf32>
      tpu.vector_store %arg15[%swap3A_125, %swap3A_126], %broadcast_in_dim3A_124 {strides = array<i32>} : memref<64x1xf32, #tpu.memory_space<vmem>>, vector<64x1xf32>,
      %broadcast_in_dim3A_128 = arith.constant 0.000000e+00 : f32
      %broadcast_in_dim3A_129 = vector.broadcast %broadcast_in_dim3A_128 : f32 to vector<64x1xf32>
      %swap3A_130 = arith.constant 0 : index
      %swap3A_131 = arith.constant 0 : index
      %swap3A_132 = vector.load %arg16[%swap3A_130, %swap3A_131] : memref<64x1xf32, #tpu.memory_space<vmem>>, vector<64x1xf32>
      tpu.vector_store %arg16[%swap3A_130, %swap3A_131], %broadcast_in_dim3A_129 {strides = array<i32>} : memref<64x1xf32, #tpu.memory_space<vmem>>, vector<64x1xf32>,
      %get3A_133 = arith.constant 0 : index
      %get3A_134 = arith.constant 0 : index
      %get3A_135 = vector.load %arg8[%get3A_133, %get3A_134] : memref<64x1xi32, #tpu.memory_space<vmem>>, vector<64x1xi32>
      %jit3A_136 = arith.constant 4 : i32
      %eq3A_137 = arith.constant 0 : i32
      %eq3A_138 = arith.cmpi eq, %jit3A_136, %eq3A_137 : i32
      %jit3A_139 = arith.constant 1 : i32
      %select_n3A_140 = arith.select %eq3A_138, %jit3A_139, %jit3A_136 : i32
      %rem3A_141 = vector.broadcast %select_n3A_140 : i32 to vector<64x1xi32>
      %rem3A_142 = arith.remsi %get3A_135, %rem3A_141 : vector<64x1xi32>
      %ne3A_143 = arith.constant 0 : i32
      %ne3A_144 = vector.broadcast %ne3A_143 : i32 to vector<64x1xi32>
      %ne3A_145 = arith.cmpi ne, %rem3A_142, %ne3A_144 : vector<64x1xi32>
      %lt3A_146 = arith.constant 0 : i32
      %lt3A_147 = vector.broadcast %lt3A_146 : i32 to vector<64x1xi32>
      %lt3A_148 = arith.cmpi slt, %rem3A_142, %lt3A_147 : vector<64x1xi32>
      %lt3A_149 = arith.constant 0 : i32
      %lt3A_150 = arith.cmpi slt, %select_n3A_140, %lt3A_149 : i32
      %ne3A_151 = vector.broadcast %lt3A_150 : i1 to vector<64x1xi1>
      %ne3A_152 = vector.broadcast %ne3A_151 : vector<64x1xi1> to vector<64x1xi1>
      %ne3A_153 = arith.xori %lt3A_148, %ne3A_152 : vector<64x1xi1>
      %and3A_154 = arith.andi %ne3A_153, %ne3A_145 : vector<64x1xi1>
      %add3A_155 = vector.broadcast %select_n3A_140 : i32 to vector<64x1xi32>
      %add3A_156 = arith.addi %rem3A_142, %add3A_155 : vector<64x1xi32>
      %select_n3A_157 = arith.select %and3A_154, %add3A_156, %rem3A_142 : vector<64x1xi1>, vector<64x1xi32>
      %get3A_158 = arith.constant 0 : index
      %get3A_159 = arith.constant 0 : index
      %get3A_160 = vector.load %arg7[%get3A_158, %get3A_159] : memref<64x1xi32, #tpu.memory_space<vmem>>, vector<64x1xi32>
      %jit3A_161 = arith.constant 4 : i32
      %eq3A_162 = arith.constant 0 : i32
      %eq3A_163 = arith.cmpi eq, %jit3A_161, %eq3A_162 : i32
      %jit3A_164 = arith.constant 1 : i32
      %select_n3A_165 = arith.select %eq3A_163, %jit3A_164, %jit3A_161 : i32
      %rem3A_166 = vector.broadcast %select_n3A_165 : i32 to vector<64x1xi32>
      %rem3A_167 = arith.remsi %get3A_160, %rem3A_166 : vector<64x1xi32>
      %ne3A_168 = arith.constant 0 : i32
      %ne3A_169 = vector.broadcast %ne3A_168 : i32 to vector<64x1xi32>
      %ne3A_170 = arith.cmpi ne, %rem3A_167, %ne3A_169 : vector<64x1xi32>
      %lt3A_171 = arith.constant 0 : i32
      %lt3A_172 = vector.broadcast %lt3A_171 : i32 to vector<64x1xi32>
      %lt3A_173 = arith.cmpi slt, %rem3A_167, %lt3A_172 : vector<64x1xi32>
      %lt3A_174 = arith.constant 0 : i32
      %lt3A_175 = arith.cmpi slt, %select_n3A_165, %lt3A_174 : i32
      %ne3A_176 = vector.broadcast %lt3A_175 : i1 to vector<64x1xi1>
      %ne3A_177 = vector.broadcast %ne3A_176 : vector<64x1xi1> to vector<64x1xi1>
      %ne3A_178 = arith.xori %lt3A_173, %ne3A_177 : vector<64x1xi1>
      %and3A_179 = arith.andi %ne3A_178, %ne3A_170 : vector<64x1xi1>
      %add3A_180 = vector.broadcast %select_n3A_165 : i32 to vector<64x1xi32>
      %add3A_181 = arith.addi %rem3A_167, %add3A_180 : vector<64x1xi32>
      %select_n3A_182 = arith.select %and3A_179, %add3A_181, %rem3A_167 : vector<64x1xi1>, vector<64x1xi32>
      %broadcast_in_dim3A_183 = arith.constant 0.000000e+00 : f32
      %broadcast_in_dim3A_184 = vector.broadcast %broadcast_in_dim3A_183 : f32 to vector<64x32xf32>
      %broadcast_in_dim3A_185 = arith.constant 0.000000e+00 : f32
      %broadcast_in_dim3A_186 = vector.broadcast %broadcast_in_dim3A_185 : f32 to vector<64x32xf32>
      %get3A_187 = arith.constant 0 : index
      %get3A_188 = arith.constant 0 : index
      %get3A_189 = vector.load %arg4[%get3A_187, %get3A_188] : memref<128x128xf32, #tpu.memory_space<vmem>>, vector<128x32xf32>
      %eq3A_190 = arith.constant 0 : i32
      %eq3A_191 = vector.broadcast %eq3A_190 : i32 to vector<64x1xi32>
      %eq3A_192 = arith.cmpi eq, %select_n3A_157, %eq3A_191 : vector<64x1xi32>
      %slice3A = vector.extract_strided_slice %get3A_189 {offsets = [0, 0], sizes = [64, 32], strides = [1, 1]} : vector<128x32xf32> to vector<64x32xf32>
      %broadcast_in_dim3A_193 = vector.shape_cast %eq3A_192 : vector<64x1xi1> to vector<64x1xi1>
      %broadcast_in_dim3A_194 = vector.broadcast %broadcast_in_dim3A_193 : vector<64x1xi1> to vector<64x32xi1>
      %select_n3A_195 = arith.select %broadcast_in_dim3A_194, %slice3A, %broadcast_in_dim3A_184 : vector<64x32xi1>, vector<64x32xf32>
      %eq3A_196 = arith.constant 0 : i32
      %eq3A_197 = vector.broadcast %eq3A_196 : i32 to vector<64x1xi32>
      %eq3A_198 = arith.cmpi eq, %select_n3A_182, %eq3A_197 : vector<64x1xi32>
      %slice3A_199 = vector.extract_strided_slice %get3A_189 {offsets = [64, 0], sizes = [64, 32], strides = [1, 1]} : vector<128x32xf32> to vector<64x32xf32>
      %broadcast_in_dim3A_200 = vector.shape_cast %eq3A_198 : vector<64x1xi1> to vector<64x1xi1>
      %broadcast_in_dim3A_201 = vector.broadcast %broadcast_in_dim3A_200 : vector<64x1xi1> to vector<64x32xi1>
      %select_n3A_202 = arith.select %broadcast_in_dim3A_201, %slice3A_199, %broadcast_in_dim3A_186 : vector<64x32xi1>, vector<64x32xf32>
      %get3A_203 = arith.constant 0 : index
      %get3A_204 = arith.constant 32 : index
      %get3A_205 = vector.load %arg4[%get3A_203, %get3A_204] : memref<128x128xf32, #tpu.memory_space<vmem>>, vector<128x32xf32>
      %eq3A_206 = arith.constant 1 : i32
      %eq3A_207 = vector.broadcast %eq3A_206 : i32 to vector<64x1xi32>
      %eq3A_208 = arith.cmpi eq, %select_n3A_157, %eq3A_207 : vector<64x1xi32>
      %slice3A_209 = vector.extract_strided_slice %get3A_205 {offsets = [0, 0], sizes = [64, 32], strides = [1, 1]} : vector<128x32xf32> to vector<64x32xf32>
      %broadcast_in_dim3A_210 = vector.shape_cast %eq3A_208 : vector<64x1xi1> to vector<64x1xi1>
      %broadcast_in_dim3A_211 = vector.broadcast %broadcast_in_dim3A_210 : vector<64x1xi1> to vector<64x32xi1>
      %select_n3A_212 = arith.select %broadcast_in_dim3A_211, %slice3A_209, %select_n3A_195 : vector<64x32xi1>, vector<64x32xf32>
      %eq3A_213 = arith.constant 1 : i32
      %eq3A_214 = vector.broadcast %eq3A_213 : i32 to vector<64x1xi32>
      %eq3A_215 = arith.cmpi eq, %select_n3A_182, %eq3A_214 : vector<64x1xi32>
      %slice3A_216 = vector.extract_strided_slice %get3A_205 {offsets = [64, 0], sizes = [64, 32], strides = [1, 1]} : vector<128x32xf32> to vector<64x32xf32>
      %broadcast_in_dim3A_217 = vector.shape_cast %eq3A_215 : vector<64x1xi1> to vector<64x1xi1>
      %broadcast_in_dim3A_218 = vector.broadcast %broadcast_in_dim3A_217 : vector<64x1xi1> to vector<64x32xi1>
      %select_n3A_219 = arith.select %broadcast_in_dim3A_218, %slice3A_216, %select_n3A_202 : vector<64x32xi1>, vector<64x32xf32>
      %get3A_220 = arith.constant 0 : index
      %get3A_221 = arith.constant 64 : index
      %get3A_222 = vector.load %arg4[%get3A_220, %get3A_221] : memref<128x128xf32, #tpu.memory_space<vmem>>, vector<128x32xf32>
      %eq3A_223 = arith.constant 2 : i32
      %eq3A_224 = vector.broadcast %eq3A_223 : i32 to vector<64x1xi32>
      %eq3A_225 = arith.cmpi eq, %select_n3A_157, %eq3A_224 : vector<64x1xi32>
      %slice3A_226 = vector.extract_strided_slice %get3A_222 {offsets = [0, 0], sizes = [64, 32], strides = [1, 1]} : vector<128x32xf32> to vector<64x32xf32>
      %broadcast_in_dim3A_227 = vector.shape_cast %eq3A_225 : vector<64x1xi1> to vector<64x1xi1>
      %broadcast_in_dim3A_228 = vector.broadcast %broadcast_in_dim3A_227 : vector<64x1xi1> to vector<64x32xi1>
      %select_n3A_229 = arith.select %broadcast_in_dim3A_228, %slice3A_226, %select_n3A_212 : vector<64x32xi1>, vector<64x32xf32>
      %eq3A_230 = arith.constant 2 : i32
      %eq3A_231 = vector.broadcast %eq3A_230 : i32 to vector<64x1xi32>
      %eq3A_232 = arith.cmpi eq, %select_n3A_182, %eq3A_231 : vector<64x1xi32>
      %slice3A_233 = vector.extract_strided_slice %get3A_222 {offsets = [64, 0], sizes = [64, 32], strides = [1, 1]} : vector<128x32xf32> to vector<64x32xf32>
      %broadcast_in_dim3A_234 = vector.shape_cast %eq3A_232 : vector<64x1xi1> to vector<64x1xi1>
      %broadcast_in_dim3A_235 = vector.broadcast %broadcast_in_dim3A_234 : vector<64x1xi1> to vector<64x32xi1>
      %select_n3A_236 = arith.select %broadcast_in_dim3A_235, %slice3A_233, %select_n3A_219 : vector<64x32xi1>, vector<64x32xf32>
      %get3A_237 = arith.constant 0 : index
      %get3A_238 = arith.constant 96 : index
      %get3A_239 = vector.load %arg4[%get3A_237, %get3A_238] : memref<128x128xf32, #tpu.memory_space<vmem>>, vector<128x32xf32>
      %eq3A_240 = arith.constant 3 : i32
      %eq3A_241 = vector.broadcast %eq3A_240 : i32 to vector<64x1xi32>
      %eq3A_242 = arith.cmpi eq, %select_n3A_157, %eq3A_241 : vector<64x1xi32>
      %slice3A_243 = vector.extract_strided_slice %get3A_239 {offsets = [0, 0], sizes = [64, 32], strides = [1, 1]} : vector<128x32xf32> to vector<64x32xf32>
      %broadcast_in_dim3A_244 = vector.shape_cast %eq3A_242 : vector<64x1xi1> to vector<64x1xi1>
      %broadcast_in_dim3A_245 = vector.broadcast %broadcast_in_dim3A_244 : vector<64x1xi1> to vector<64x32xi1>
      %select_n3A_246 = arith.select %broadcast_in_dim3A_245, %slice3A_243, %select_n3A_229 : vector<64x32xi1>, vector<64x32xf32>
      %eq3A_247 = arith.constant 3 : i32
      %eq3A_248 = vector.broadcast %eq3A_247 : i32 to vector<64x1xi32>
      %eq3A_249 = arith.cmpi eq, %select_n3A_182, %eq3A_248 : vector<64x1xi32>
      %slice3A_250 = vector.extract_strided_slice %get3A_239 {offsets = [64, 0], sizes = [64, 32], strides = [1, 1]} : vector<128x32xf32> to vector<64x32xf32>
      %broadcast_in_dim3A_251 = vector.shape_cast %eq3A_249 : vector<64x1xi1> to vector<64x1xi1>
      %broadcast_in_dim3A_252 = vector.broadcast %broadcast_in_dim3A_251 : vector<64x1xi1> to vector<64x32xi1>
      %select_n3A_253 = arith.select %broadcast_in_dim3A_252, %slice3A_250, %select_n3A_236 : vector<64x32xi1>, vector<64x32xf32>
      %get3A_254 = arith.constant 0 : index
      %get3A_255 = arith.constant 0 : index
      %get3A_256 = vector.load %arg6[%get3A_254, %get3A_255] : memref<64x32xf32, #tpu.memory_space<vmem>>, vector<64x32xf32>
      %sub3A_257 = arith.subf %get3A_256, %select_n3A_246 : vector<64x32xf32>
      %add3A_258 = arith.addf %sub3A_257, %select_n3A_253 : vector<64x32xf32>
      %swap3A_259 = arith.constant 0 : index
      %swap3A_260 = arith.constant 0 : index
      %swap3A_261 = vector.load %arg17[%swap3A_259, %swap3A_260] : memref<64x32xf32, #tpu.memory_space<vmem>>, vector<64x32xf32>
      tpu.vector_store %arg17[%swap3A_259, %swap3A_260], %add3A_258 {strides = array<i32>} : memref<64x32xf32, #tpu.memory_space<vmem>>, vector<64x32xf32>,
    } else {
    }
    %iota3A = tpu.iota {dimensions = array<i32: 1>} : vector<64x8192xi32>
    %mul3A = arith.constant 8192 : i32
    %mul3A_2 = arith.muli %arg0, %mul3A : i32
    %add3A = vector.broadcast %mul3A_2 : i32 to vector<64x8192xi32>
    %add3A_3 = arith.addi %iota3A, %add3A : vector<64x8192xi32>
    %get3A = arith.constant 0 : index
    %get3A_4 = arith.constant 0 : index
    %get3A_5 = vector.load %arg7[%get3A, %get3A_4] : memref<64x1xi32, #tpu.memory_space<vmem>>, vector<64x1xi32>
    %get3A_6 = arith.constant 0 : index
    %get3A_7 = arith.constant 0 : index
    %get3A_8 = vector.load %arg8[%get3A_6, %get3A_7] : memref<64x1xi32, #tpu.memory_space<vmem>>, vector<64x1xi32>
    %mul3A_9 = arith.constant 128 : i32
    %mul3A_10 = arith.muli %arg0, %mul3A_9 : i32
    %get3A_11 = arith.constant 0 : index
    %get3A_12 = arith.index_cast %mul3A_10 : i32 to index
    %get3A_13 = vector.load %arg3[%get3A_11, %get3A_12] : memref<64x2048xi32, #tpu.memory_space<vmem>>, vector<64x128xi32>
    %convert_element_type3A_14 = arith.sitofp %get3A_13 : vector<64x128xi32> to vector<64x128xf32>
    %get3A_15 = arith.constant 0 : index
    %get3A_16 = arith.constant 0 : index
    %get3A_17 = vector.load %arg11[%get3A_15, %get3A_16] : memref<128x8192xf32, #tpu.memory_space<vmem>>, vector<128x8192xf32>
    %dot_general3A = arith.constant dense<0.000000e+00> : vector<64x8192xf32>
    %dot_general3A_18 = tpu.matmul %convert_element_type3A_14, %get3A_17, %dot_general3A {dimension_numbers = #tpu.dot_dimension_numbers<[1], [0], [0], [1], [0, 0, 1, 1], [], []>, transpose_lhs_hint = false} : vector<64x128xf32>, vector<128x8192xf32>, vector<64x8192xf32> -> vector<64x8192xf32>
    %jit3A = arith.constant 64 : i32
    %eq3A_19 = arith.constant 0 : i32
    %eq3A_20 = arith.cmpi eq, %jit3A, %eq3A_19 : i32
    %jit3A_21 = arith.constant 1 : i32
    %select_n3A = arith.select %eq3A_20, %jit3A_21, %jit3A : i32
    %rem3A = vector.broadcast %select_n3A : i32 to vector<64x8192xi32>
    %rem3A_22 = arith.remsi %iota3A, %rem3A : vector<64x8192xi32>
    %ne3A = arith.constant 0 : i32
    %ne3A_23 = vector.broadcast %ne3A : i32 to vector<64x8192xi32>
    %ne3A_24 = arith.cmpi ne, %rem3A_22, %ne3A_23 : vector<64x8192xi32>
    %lt3A = arith.constant 0 : i32
    %lt3A_25 = vector.broadcast %lt3A : i32 to vector<64x8192xi32>
    %lt3A_26 = arith.cmpi slt, %rem3A_22, %lt3A_25 : vector<64x8192xi32>
    %lt3A_27 = arith.constant 0 : i32
    %lt3A_28 = arith.cmpi slt, %select_n3A, %lt3A_27 : i32
    %ne3A_29 = vector.broadcast %lt3A_28 : i1 to vector<64x8192xi1>
    %ne3A_30 = vector.broadcast %ne3A_29 : vector<64x8192xi1> to vector<64x8192xi1>
    %ne3A_31 = arith.xori %lt3A_26, %ne3A_30 : vector<64x8192xi1>
    %and3A = arith.andi %ne3A_31, %ne3A_24 : vector<64x8192xi1>
    %add3A_32 = vector.broadcast %select_n3A : i32 to vector<64x8192xi32>
    %add3A_33 = arith.addi %rem3A_22, %add3A_32 : vector<64x8192xi32>
    %select_n3A_34 = arith.select %and3A, %add3A_33, %rem3A_22 : vector<64x8192xi1>, vector<64x8192xi32>
    %convert_element_type3A_35 = arith.sitofp %select_n3A_34 : vector<64x8192xi32> to vector<64x8192xf32>
    %eq3A_36 = arith.cmpf oeq, %dot_general3A_18, %convert_element_type3A_35 : vector<64x8192xf32>
    %ne3A_37 = vector.broadcast %get3A_8 : vector<64x1xi32> to vector<64x8192xi32>
    %ne3A_38 = arith.cmpi ne, %add3A_3, %ne3A_37 : vector<64x8192xi32>
    %eq3A_39 = vector.broadcast %get3A_5 : vector<64x1xi32> to vector<64x8192xi32>
    %eq3A_40 = arith.cmpi eq, %add3A_3, %eq3A_39 : vector<64x8192xi32>
    %or3A = arith.ori %eq3A_36, %eq3A_40 : vector<64x8192xi1>
    %and3A_41 = arith.andi %ne3A_38, %or3A : vector<64x8192xi1>
    %get3A_42 = arith.constant 0 : index
    %get3A_43 = arith.constant 0 : index
    %get3A_44 = vector.load %arg1[%get3A_42, %get3A_43] : memref<8192x32xf32, #tpu.memory_space<vmem>>, vector<8192x32xf32>
    %get3A_45 = arith.constant 0 : index
    %get3A_46 = arith.constant 0 : index
    %get3A_47 = arith.constant 0 : index
    %get3A_48 = vector.load %arg2[%get3A_45, %get3A_46, %get3A_47] : memref<1x1x8192xf32, #tpu.memory_space<vmem>>, vector<1x1x8192xf32>
    %reshape3A = vector.shape_cast %get3A_48 : vector<1x1x8192xf32> to vector<1x8192xf32>
    %get3A_49 = arith.constant 0 : index
    %get3A_50 = arith.constant 0 : index
    %get3A_51 = vector.load %arg17[%get3A_49, %get3A_50] : memref<64x32xf32, #tpu.memory_space<vmem>>, vector<64x32xf32>
    %dot_general3A_52 = arith.constant dense<0.000000e+00> : vector<64x8192xf32>
    %dot_general3A_53 = tpu.matmul %get3A_51, %get3A_44, %dot_general3A_52 {dimension_numbers = #tpu.dot_dimension_numbers<[1], [1], [0], [0], [0, 0, 1, 0], [], []>, precision = #tpu.contract_precision<fp32>, transpose_lhs_hint = false} : vector<64x32xf32>, vector<8192x32xf32>, vector<64x8192xf32> -> vector<64x8192xf32>
    %sub3A = vector.broadcast %reshape3A : vector<1x8192xf32> to vector<64x8192xf32>
    %sub3A_54 = arith.subf %sub3A, %dot_general3A_53 : vector<64x8192xf32>
    %jit3A_55 = arith.constant 0.000000e+00 : f32
    %broadcast_in_dim3A = vector.broadcast %jit3A_55 : f32 to vector<64x8192xf32>
    %select_n3A_56 = arith.select %and3A_41, %sub3A_54, %broadcast_in_dim3A : vector<64x8192xi1>, vector<64x8192xf32>
    %get3A_57 = arith.constant 0 : index
    %get3A_58 = arith.constant 0 : index
    %get3A_59 = vector.load %arg12[%get3A_57, %get3A_58] : memref<8192x128xf32, #tpu.memory_space<vmem>>, vector<8192x128xf32>
    %dot_general3A_60 = arith.constant dense<0.000000e+00> : vector<64x128xf32>
    %dot_general3A_61 = tpu.matmul %select_n3A_56, %get3A_59, %dot_general3A_60 {dimension_numbers = #tpu.dot_dimension_numbers<[1], [0], [0], [1], [0, 0, 1, 1], [], []>, transpose_lhs_hint = false} : vector<64x8192xf32>, vector<8192x128xf32>, vector<64x128xf32> -> vector<64x128xf32>
    %get3A_62 = arith.constant 0 : index
    %get3A_63 = arith.constant 0 : index
    %get3A_64 = vector.load %arg11[%get3A_62, %get3A_63] : memref<128x8192xf32, #tpu.memory_space<vmem>>, vector<128x8192xf32>
    %dot_general3A_65 = arith.constant dense<0.000000e+00> : vector<64x8192xf32>
    %dot_general3A_66 = tpu.matmul %dot_general3A_61, %get3A_64, %dot_general3A_65 {dimension_numbers = #tpu.dot_dimension_numbers<[1], [0], [0], [1], [0, 0, 1, 1], [], []>, transpose_lhs_hint = false} : vector<64x128xf32>, vector<128x8192xf32>, vector<64x8192xf32> -> vector<64x8192xf32>
    %sub3A_67 = arith.subf %sub3A_54, %dot_general3A_66 : vector<64x8192xf32>
    %mul3A_68 = arith.constant 5.000000e-01 : f32
    %mul3A_69 = vector.broadcast %mul3A_68 : f32 to vector<64x8192xf32>
    %mul3A_70 = arith.mulf %sub3A_67, %mul3A_69 : vector<64x8192xf32>
    %jit3A_71 = arith.constant -1.000000e+09 : f32
    %broadcast_in_dim3A_72 = vector.broadcast %jit3A_71 : f32 to vector<64x8192xf32>
    %select_n3A_73 = arith.select %and3A_41, %broadcast_in_dim3A_72, %mul3A_70 : vector<64x8192xi1>, vector<64x8192xf32>
    %get3A_74 = arith.constant 0 : index
    %get3A_75 = arith.constant 0 : index
    %get3A_76 = vector.load %arg16[%get3A_74, %get3A_75] : memref<64x1xf32, #tpu.memory_space<vmem>>, vector<64x1xf32>
    %eq3A_77 = vector.broadcast %get3A_8 : vector<64x1xi32> to vector<64x8192xi32>
    %eq3A_78 = arith.cmpi eq, %add3A_3, %eq3A_77 : vector<64x8192xi32>
    %jit3A_79 = arith.constant 0.000000e+00 : f32
    %broadcast_in_dim3A_80 = vector.broadcast %jit3A_79 : f32 to vector<64x8192xf32>
    %select_n3A_81 = arith.select %eq3A_78, %select_n3A_73, %broadcast_in_dim3A_80 : vector<64x8192xi1>, vector<64x8192xf32>
    %reduce_sum3A = arith.constant dense<0.000000e+00> : vector<64xf32>
    %reduce_sum3A_82 = vector.multi_reduction <add>, %select_n3A_81, %reduce_sum3A [1] : vector<64x8192xf32> to vector<64xf32>
    %broadcast_in_dim3A_83 = vector.shape_cast %reduce_sum3A_82 : vector<64xf32> to vector<64x1xf32>
    %add3A_84 = arith.addf %get3A_76, %broadcast_in_dim3A_83 : vector<64x1xf32>
    %swap3A = arith.constant 0 : index
    %swap3A_85 = arith.constant 0 : index
    %swap3A_86 = vector.load %arg16[%swap3A, %swap3A_85] : memref<64x1xf32, #tpu.memory_space<vmem>>, vector<64x1xf32>
    tpu.vector_store %arg16[%swap3A, %swap3A_85], %add3A_84 {strides = array<i32>} : memref<64x1xf32, #tpu.memory_space<vmem>>, vector<64x1xf32>,
    %reduce_max3A = arith.constant dense<0xFF800000> : vector<64xf32>
    %reduce_max3A_87 = vector.multi_reduction <maximumf>, %select_n3A_73, %reduce_max3A [1] : vector<64x8192xf32> to vector<64xf32>
    %broadcast_in_dim3A_88 = vector.shape_cast %reduce_max3A_87 : vector<64xf32> to vector<64x1xf32>
    %get3A_89 = arith.constant 0 : index
    %get3A_90 = arith.constant 0 : index
    %get3A_91 = vector.load %arg14[%get3A_89, %get3A_90] : memref<64x1xf32, #tpu.memory_space<vmem>>, vector<64x1xf32>
    %max3A = arith.maximumf %get3A_91, %broadcast_in_dim3A_88 : vector<64x1xf32>
    %get3A_92 = arith.constant 0 : index
    %get3A_93 = arith.constant 0 : index
    %get3A_94 = vector.load %arg15[%get3A_92, %get3A_93] : memref<64x1xf32, #tpu.memory_space<vmem>>, vector<64x1xf32>
    %get3A_95 = arith.constant 0 : index
    %get3A_96 = arith.constant 0 : index
    %get3A_97 = vector.load %arg14[%get3A_95, %get3A_96] : memref<64x1xf32, #tpu.memory_space<vmem>>, vector<64x1xf32>
    %sub3A_98 = arith.subf %get3A_97, %max3A : vector<64x1xf32>
    %exp3A = math.exp %sub3A_98 : vector<64x1xf32>
    %mul3A_99 = arith.mulf %get3A_94, %exp3A : vector<64x1xf32>
    %sub3A_100 = vector.broadcast %max3A : vector<64x1xf32> to vector<64x8192xf32>
    %sub3A_101 = arith.subf %select_n3A_73, %sub3A_100 : vector<64x8192xf32>
    %exp3A_102 = math.exp %sub3A_101 : vector<64x8192xf32>
    %reduce_sum3A_103 = arith.constant dense<0.000000e+00> : vector<64xf32>
    %reduce_sum3A_104 = vector.multi_reduction <add>, %exp3A_102, %reduce_sum3A_103 [1] : vector<64x8192xf32> to vector<64xf32>
    %broadcast_in_dim3A_105 = vector.shape_cast %reduce_sum3A_104 : vector<64xf32> to vector<64x1xf32>
    %add3A_106 = arith.addf %mul3A_99, %broadcast_in_dim3A_105 : vector<64x1xf32>
    %swap3A_107 = arith.constant 0 : index
    %swap3A_108 = arith.constant 0 : index
    %swap3A_109 = vector.load %arg15[%swap3A_107, %swap3A_108] : memref<64x1xf32, #tpu.memory_space<vmem>>, vector<64x1xf32>
    tpu.vector_store %arg15[%swap3A_107, %swap3A_108], %add3A_106 {strides = array<i32>} : memref<64x1xf32, #tpu.memory_space<vmem>>, vector<64x1xf32>,
    %swap3A_110 = arith.constant 0 : index
    %swap3A_111 = arith.constant 0 : index
    %swap3A_112 = vector.load %arg14[%swap3A_110, %swap3A_111] : memref<64x1xf32, #tpu.memory_space<vmem>>, vector<64x1xf32>
    tpu.vector_store %arg14[%swap3A_110, %swap3A_111], %max3A {strides = array<i32>} : memref<64x1xf32, #tpu.memory_space<vmem>>, vector<64x1xf32>,
    %eq3A_113 = arith.constant 15 : i32
    %eq3A_114 = arith.cmpi eq, %arg0, %eq3A_113 : i32
    %convert_element_type3A_115 = arith.extui %eq3A_114 : i1 to i32
    %cond3A_116 = arith.constant 0 : i32
    %cond3A_117 = arith.cmpi ne, %convert_element_type3A_115, %cond3A_116 : i32
    scf.if %cond3A_117 {
      %get3A_118 = arith.constant 0 : index
      %get3A_119 = arith.constant 0 : index
      %get3A_120 = vector.load %arg6[%get3A_118, %get3A_119] : memref<64x32xf32, #tpu.memory_space<vmem>>, vector<64x32xf32>
      %get3A_121 = arith.constant 0 : index
      %get3A_122 = arith.constant 0 : index
      %get3A_123 = vector.load %arg17[%get3A_121, %get3A_122] : memref<64x32xf32, #tpu.memory_space<vmem>>, vector<64x32xf32>
      %iota3A_124 = tpu.iota {dimensions = array<i32: 1>} : vector<64x128xi32>
      %get3A_125 = arith.constant 0 : index
      %get3A_126 = arith.constant 0 : index
      %get3A_127 = vector.load %arg8[%get3A_125, %get3A_126] : memref<64x1xi32, #tpu.memory_space<vmem>>, vector<64x1xi32>
      %jit3A_128 = arith.constant 128 : i32
      %eq3A_129 = arith.constant 0 : i32
      %eq3A_130 = arith.cmpi eq, %jit3A_128, %eq3A_129 : i32
      %jit3A_131 = arith.constant 1 : i32
      %select_n3A_132 = arith.select %eq3A_130, %jit3A_131, %jit3A_128 : i32
      %rem3A_133 = vector.broadcast %select_n3A_132 : i32 to vector<64x1xi32>
      %rem3A_134 = arith.remsi %get3A_127, %rem3A_133 : vector<64x1xi32>
      %ne3A_135 = arith.constant 0 : i32
      %ne3A_136 = vector.broadcast %ne3A_135 : i32 to vector<64x1xi32>
      %ne3A_137 = arith.cmpi ne, %rem3A_134, %ne3A_136 : vector<64x1xi32>
      %lt3A_138 = arith.constant 0 : i32
      %lt3A_139 = vector.broadcast %lt3A_138 : i32 to vector<64x1xi32>
      %lt3A_140 = arith.cmpi slt, %rem3A_134, %lt3A_139 : vector<64x1xi32>
      %lt3A_141 = arith.constant 0 : i32
      %lt3A_142 = arith.cmpi slt, %select_n3A_132, %lt3A_141 : i32
      %ne3A_143 = vector.broadcast %lt3A_142 : i1 to vector<64x1xi1>
      %ne3A_144 = vector.broadcast %ne3A_143 : vector<64x1xi1> to vector<64x1xi1>
      %ne3A_145 = arith.xori %lt3A_140, %ne3A_144 : vector<64x1xi1>
      %and3A_146 = arith.andi %ne3A_145, %ne3A_137 : vector<64x1xi1>
      %add3A_147 = vector.broadcast %select_n3A_132 : i32 to vector<64x1xi32>
      %add3A_148 = arith.addi %rem3A_134, %add3A_147 : vector<64x1xi32>
      %select_n3A_149 = arith.select %and3A_146, %add3A_148, %rem3A_134 : vector<64x1xi1>, vector<64x1xi32>
      %eq3A_150 = vector.broadcast %select_n3A_149 : vector<64x1xi32> to vector<64x128xi32>
      %eq3A_151 = arith.cmpi eq, %iota3A_124, %eq3A_150 : vector<64x128xi32>
      %get3A_152 = arith.constant 0 : index
      %get3A_153 = arith.constant 0 : index
      %get3A_154 = vector.load %arg5[%get3A_152, %get3A_153] : memref<128x128xf32, #tpu.memory_space<vmem>>, vector<64x128xf32>
      %jit3A_155 = arith.constant 0.000000e+00 : f32
      %broadcast_in_dim3A_156 = vector.broadcast %jit3A_155 : f32 to vector<64x128xf32>
      %select_n3A_157 = arith.select %eq3A_151, %get3A_154, %broadcast_in_dim3A_156 : vector<64x128xi1>, vector<64x128xf32>
      %reduce_sum3A_158 = arith.constant dense<0.000000e+00> : vector<64xf32>
      %reduce_sum3A_159 = vector.multi_reduction <add>, %select_n3A_157, %reduce_sum3A_158 [1] : vector<64x128xf32> to vector<64xf32>
      %broadcast_in_dim3A_160 = vector.shape_cast %reduce_sum3A_159 : vector<64xf32> to vector<64x1xf32>
      %get3A_161 = arith.constant 0 : index
      %get3A_162 = arith.constant 0 : index
      %get3A_163 = vector.load %arg7[%get3A_161, %get3A_162] : memref<64x1xi32, #tpu.memory_space<vmem>>, vector<64x1xi32>
      %jit3A_164 = arith.constant 128 : i32
      %eq3A_165 = arith.constant 0 : i32
      %eq3A_166 = arith.cmpi eq, %jit3A_164, %eq3A_165 : i32
      %jit3A_167 = arith.constant 1 : i32
      %select_n3A_168 = arith.select %eq3A_166, %jit3A_167, %jit3A_164 : i32
      %rem3A_169 = vector.broadcast %select_n3A_168 : i32 to vector<64x1xi32>
      %rem3A_170 = arith.remsi %get3A_163, %rem3A_169 : vector<64x1xi32>
      %ne3A_171 = arith.constant 0 : i32
      %ne3A_172 = vector.broadcast %ne3A_171 : i32 to vector<64x1xi32>
      %ne3A_173 = arith.cmpi ne, %rem3A_170, %ne3A_172 : vector<64x1xi32>
      %lt3A_174 = arith.constant 0 : i32
      %lt3A_175 = vector.broadcast %lt3A_174 : i32 to vector<64x1xi32>
      %lt3A_176 = arith.cmpi slt, %rem3A_170, %lt3A_175 : vector<64x1xi32>
      %lt3A_177 = arith.constant 0 : i32
      %lt3A_178 = arith.cmpi slt, %select_n3A_168, %lt3A_177 : i32
      %ne3A_179 = vector.broadcast %lt3A_178 : i1 to vector<64x1xi1>
      %ne3A_180 = vector.broadcast %ne3A_179 : vector<64x1xi1> to vector<64x1xi1>
      %ne3A_181 = arith.xori %lt3A_176, %ne3A_180 : vector<64x1xi1>
      %and3A_182 = arith.andi %ne3A_181, %ne3A_173 : vector<64x1xi1>
      %add3A_183 = vector.broadcast %select_n3A_168 : i32 to vector<64x1xi32>
      %add3A_184 = arith.addi %rem3A_170, %add3A_183 : vector<64x1xi32>
      %select_n3A_185 = arith.select %and3A_182, %add3A_184, %rem3A_170 : vector<64x1xi1>, vector<64x1xi32>
      %eq3A_186 = vector.broadcast %select_n3A_185 : vector<64x1xi32> to vector<64x128xi32>
      %eq3A_187 = arith.cmpi eq, %iota3A_124, %eq3A_186 : vector<64x128xi32>
      %get3A_188 = arith.constant 64 : index
      %get3A_189 = arith.constant 0 : index
      %get3A_190 = vector.load %arg5[%get3A_188, %get3A_189] : memref<128x128xf32, #tpu.memory_space<vmem>>, vector<64x128xf32>
      %jit3A_191 = arith.constant 0.000000e+00 : f32
      %broadcast_in_dim3A_192 = vector.broadcast %jit3A_191 : f32 to vector<64x128xf32>
      %select_n3A_193 = arith.select %eq3A_187, %get3A_190, %broadcast_in_dim3A_192 : vector<64x128xi1>, vector<64x128xf32>
      %reduce_sum3A_194 = arith.constant dense<0.000000e+00> : vector<64xf32>
      %reduce_sum3A_195 = vector.multi_reduction <add>, %select_n3A_193, %reduce_sum3A_194 [1] : vector<64x128xf32> to vector<64xf32>
      %broadcast_in_dim3A_196 = vector.shape_cast %reduce_sum3A_195 : vector<64xf32> to vector<64x1xf32>
      %mul3A_197 = arith.mulf %get3A_123, %get3A_123 : vector<64x32xf32>
      %reduce_sum3A_198 = arith.constant dense<0.000000e+00> : vector<64xf32>
      %reduce_sum3A_199 = vector.multi_reduction <add>, %mul3A_197, %reduce_sum3A_198 [1] : vector<64x32xf32> to vector<64xf32>
      %broadcast_in_dim3A_200 = vector.shape_cast %reduce_sum3A_199 : vector<64xf32> to vector<64x1xf32>
      %mul3A_201 = arith.mulf %get3A_120, %get3A_120 : vector<64x32xf32>
      %reduce_sum3A_202 = arith.constant dense<0.000000e+00> : vector<64xf32>
      %reduce_sum3A_203 = vector.multi_reduction <add>, %mul3A_201, %reduce_sum3A_202 [1] : vector<64x32xf32> to vector<64xf32>
      %broadcast_in_dim3A_204 = vector.shape_cast %reduce_sum3A_203 : vector<64xf32> to vector<64x1xf32>
      %sub3A_205 = arith.subf %broadcast_in_dim3A_200, %broadcast_in_dim3A_204 : vector<64x1xf32>
      %mul3A_206 = arith.constant -5.000000e-01 : f32
      %mul3A_207 = vector.broadcast %mul3A_206 : f32 to vector<64x1xf32>
      %mul3A_208 = arith.mulf %mul3A_207, %sub3A_205 : vector<64x1xf32>
      %sub3A_209 = arith.subf %broadcast_in_dim3A_196, %broadcast_in_dim3A_160 : vector<64x1xf32>
      %add3A_210 = arith.addf %mul3A_208, %sub3A_209 : vector<64x1xf32>
      %get3A_211 = arith.constant 0 : index
      %get3A_212 = arith.constant 0 : index
      %get3A_213 = vector.load %arg14[%get3A_211, %get3A_212] : memref<64x1xf32, #tpu.memory_space<vmem>>, vector<64x1xf32>
      %get3A_214 = arith.constant 0 : index
      %get3A_215 = arith.constant 0 : index
      %get3A_216 = vector.load %arg15[%get3A_214, %get3A_215] : memref<64x1xf32, #tpu.memory_space<vmem>>, vector<64x1xf32>
      %log3A = math.log %get3A_216 : vector<64x1xf32>
      %add3A_217 = arith.addf %get3A_213, %log3A : vector<64x1xf32>
      %get3A_218 = arith.constant 0 : index
      %get3A_219 = arith.constant 0 : index
      %get3A_220 = vector.load %arg16[%get3A_218, %get3A_219] : memref<64x1xf32, #tpu.memory_space<vmem>>, vector<64x1xf32>
      %sub3A_221 = arith.subf %get3A_220, %add3A_217 : vector<64x1xf32>
      %add3A_222 = arith.addf %add3A_210, %sub3A_221 : vector<64x1xf32>
      %get3A_223 = arith.constant 0 : index
      %get3A_224 = arith.constant 0 : index
      %get3A_225 = vector.load %arg9[%get3A_223, %get3A_224] : memref<64x1xf32, #tpu.memory_space<vmem>>, vector<64x1xf32>
      %sub3A_226 = arith.subf %add3A_222, %get3A_225 : vector<64x1xf32>
      %exp3A_227 = math.exp %sub3A_226 : vector<64x1xf32>
      %get3A_228 = arith.constant 0 : index
      %get3A_229 = arith.constant 0 : index
      %get3A_230 = vector.load %arg10[%get3A_228, %get3A_229] : memref<64x1xf32, #tpu.memory_space<vmem>>, vector<64x1xf32>
      %gt3A = arith.cmpf ogt, %exp3A_227, %get3A_230 : vector<64x1xf32>
      %convert_element_type3A_231 = arith.extui %gt3A : vector<64x1xi1> to vector<64x1xi32>
      %convert_element_type3A_232 = arith.sitofp %convert_element_type3A_231 : vector<64x1xi32> to vector<64x1xf32>
      %swap3A_233 = arith.constant 0 : index
      %swap3A_234 = arith.constant 0 : index
      %swap3A_235 = vector.load %arg13[%swap3A_233, %swap3A_234] : memref<64x1xf32, #tpu.memory_space<vmem>>, vector<64x1xf32>
      tpu.vector_store %arg13[%swap3A_233, %swap3A_234], %convert_element_type3A_232 {strides = array<i32>} : memref<64x1xf32, #tpu.memory_space<vmem>>, vector<64x1xf32>,
    } else {
    }
    return
  }
  func.func @transform_0(%arg0: i32) -> (i32, i32) {
    %c0_i32 = arith.constant 0 : i32
    %c0_i32_0 = arith.constant 0 : i32
    return %arg0, %c0_i32 : i32, i32
  }
  func.func @transform_1(%arg0: i32) -> (i32, i32, i32) {
    %c0_i32 = arith.constant 0 : i32
    %c0_i32_0 = arith.constant 0 : i32
    %c0_i32_1 = arith.constant 0 : i32
    return %arg0, %c0_i32, %c0_i32_0 : i32, i32, i32
  }
  func.func @transform_2(%arg0: i32) -> (i32, i32) {
    %c0_i32 = arith.constant 0 : i32
    %c0_i32_0 = arith.constant 0 : i32
    %c0_i32_1 = arith.constant 0 : i32
    return %c0_i32, %c0_i32_0 : i32, i32
  }
  func.func @transform_3(%arg0: i32) -> (i32, i32) {
    %c0_i32 = arith.constant 0 : i32
    %c0_i32_0 = arith.constant 0 : i32
    %c0_i32_1 = arith.constant 0 : i32
    return %c0_i32, %c0_i32_0 : i32, i32
  }
  func.func @transform_4(%arg0: i32) -> (i32, i32) {
    %c0_i32 = arith.constant 0 : i32
    %c0_i32_0 = arith.constant 0 : i32
    %c0_i32_1 = arith.constant 0 : i32
    return %c0_i32, %c0_i32_0 : i32, i32
  }
  func.func @transform_5(%arg0: i32) -> (i32, i32) {
    %c0_i32 = arith.constant 0 : i32
    %c0_i32_0 = arith.constant 0 : i32
    %c0_i32_1 = arith.constant 0 : i32
    return %c0_i32, %c0_i32_0 : i32, i32
  }
  func.func @transform_6(%arg0: i32) -> (i32, i32) {
    %c0_i32 = arith.constant 0 : i32
    %c0_i32_0 = arith.constant 0 : i32
    %c0_i32_1 = arith.constant 0 : i32
    return %c0_i32, %c0_i32_0 : i32, i32
  }
  func.func @transform_7(%arg0: i32) -> (i32, i32) {
    %c0_i32 = arith.constant 0 : i32
    %c0_i32_0 = arith.constant 0 : i32
    %c0_i32_1 = arith.constant 0 : i32
    return %c0_i32, %c0_i32_0 : i32, i32
  }
  func.func @transform_8(%arg0: i32) -> (i32, i32) {
    %c0_i32 = arith.constant 0 : i32
    %c0_i32_0 = arith.constant 0 : i32
    %c0_i32_1 = arith.constant 0 : i32
    return %c0_i32, %c0_i32_0 : i32, i32
  }
  func.func @transform_9(%arg0: i32) -> (i32, i32) {
    %c0_i32 = arith.constant 0 : i32
    %c0_i32_0 = arith.constant 0 : i32
    %c0_i32_1 = arith.constant 0 : i32
    return %c0_i32, %c0_i32_0 : i32, i32
  }
  func.func @transform_10(%arg0: i32) -> (i32, i32) {
    %c0_i32 = arith.constant 0 : i32
    %c0_i32_0 = arith.constant 0 : i32
    %c0_i32_1 = arith.constant 0 : i32
    return %c0_i32, %c0_i32_0 : i32, i32
  }
  func.func @transform_11(%arg0: i32) -> (i32, i32) {
    %c0_i32 = arith.constant 0 : i32
    %c0_i32_0 = arith.constant 0 : i32
    %c0_i32_1 = arith.constant 0 : i32
    return %c0_i32, %c0_i32_0 : i32, i32
  }
  func.func @transform_12(%arg0: i32) -> (i32, i32) {
    %c0_i32 = arith.constant 0 : i32
    %c0_i32_0 = arith.constant 0 : i32
    %c0_i32_1 = arith.constant 0 : i32
    return %c0_i32, %c0_i32_0 : i32, i32
  }
}

</mosaic_0001>

<sc_bundles>
// kernel: kernel.7.cloned.1.call-start
scs
__scs_entry_jumppad:
0x0: {  	(pc) =	sbr.rel $0x88, $3  }
0x1: {  	(tag) =	ssettag $0x0;
	lr =	simm.s32 $0x1  }
0x2: {  	[smem:$0x3F9E] =	sst lr;
	_ =	strace $0xD0000000  }
0x3: {  	_ = 	snop  }
0x4: {  	_ = 	snop  }
0x5: {  	_ = 	snop  }
0x6: {  	_ = 	snop  }
0x7: {  	_ = 	snop  }
__scs_overlays_trampoline_lowered:
0x8: {  	[smem:$0x3FAD] =	sst s0  }
0x9: {  	[smem:$0x3FAE] =	sst s1  }
0xa: {  	[smem:$0x3FAF] =	sst s2  }
0xb: {  	[smem:$0x3FB0] =	sst s3  }
0xc: {  	[smem:$0x3FB1] =	sst s4  }
0xd: {  	[smem:$0x3FB2] =	sst s5  }
0xe: {  	[smem:$0x3FB3] =	sst s6  }
0xf: {  	[smem:$0x3FB4] =	sst s7  }
0x10: {  	[smem:$0x3FB5] =	sst s8  }
0x11: {  	[smem:$0x3FB6] =	sst s9;
	s0 =	simm.s32 @!p0 $0x0  }
0x12: {  	s1 =	sld [smem:$0x3F9C];
	s0 =	simm.s32 @p0 $0x1  }
0x13: {  	[smem:$0x3FB7] =	sst s0;
	s0 =	simm.s32 @!p1 $0x0  }
0x14: {  	s2 =	sld [smem:$0x3F9B];
	s0 =	simm.s32 @p1 $0x1  }
0x15: {  	[smem:$0x3FB8] =	sst s0;
	s0 =	simm.s32 @!p2 $0x0  }
0x16: {  	s3 =	sld [smem:$0x3FDB];
	s0 =	simm.s32 @p2 $0x1  }
0x17: {  	s4 =	simm.s32 $0x1BF5;
	[smem:$0x3FBA] =	sst s0  }
0x18: {  	s0 =	sld [smem:$0x3F9D];
	_ =	swait.ge [sflag:s4], $0x0  }
0x19: {  	s7 =	sld [smem:$0x3F9E]  }
0x1a: {  	s8 =	sadd.s32 $0xFFFFE003, lr  }
0x1b: {  	s9 =	sadd.s32 $0xFFFFFEF7, lr;
	s5 =	simm.s32 $0xFFFFFFFF;
	p2 =	slt.u32 s8, $0xFFFFF086  }
0x1c: {  	p1 =	slt.u32 s9, $0xF7A;
	s5 =	simm.s32 @!p2 $0x0  }
0x1d: {  	s5 =	simm.s32 @p1 $0x1;
	p0 =	seq.s32 s7, s2  }
0x1e: {  	s7 =	smul.u32 @!p0 $0xF7A, s2;
	p2 =	seq.s32 @!p0 s5, $0x0  }
0x1f: {  	s9 =	smul.u32 $0xF7A, s1;
	s8 =	simm.s32 @!p0 $0x1BF5;
	p2 =	por !p2, p0  }
0x20: {  	[sflag:s8] =	ssyncset.s32 @!p0 $0xFFFFF086;
	s6 =	sadd.s32 @!p0 s3, s7;
	s7 =	simm.s32 @!p0 $0x108  }
0x21: {  	s3 =	sadd.s32 s3, s9;
	s6 =	sadd.s32 @!p0 $0x88, s6;
	s7 =	simm.s32 @p2 $0x1082  }
0x22: {  	[simem:s7], [sflag:s8] =	dma.local @!p0 [hbm:s6], $0xF7A  }
0x23: {  	s9 =	sor.u32 $0xD0000000, s2;
	s6 =	simm.s32 $0x108;
	_ =	swait.ge @!p0 [sflag:s8], $0x0  }
0x24: {  	s3 =	sadd.s32 $0x88, s3;
	s6 =	simm.s32 @!p1 $0x1082;
	[sflag:s4] =	ssyncset.s32 $0xFFFFF086  }
0x25: {  	[simem:s6], [sflag:s4] =	dma.local [hbm:s3], $0xF7A  }
0x26: {  	[smem:$0x3F9E] =	sst s1;
	(tag) =	ssettag s2;
	_ =	strace s9  }
0x27: {  	s1 =	sld [smem:$0x3FAE]  }
0x28: {  	s2 =	sld [smem:$0x3FAF]  }
0x29: {  	s4 =	sld [smem:$0x3FB1]  }
0x2a: {  	p0 =	seq.s32 s5, $0x0;
	s5 =	sld [smem:$0x3FB2]  }
0x2b: {  	s6 =	sld [smem:$0x3FB3]  }
0x2c: {  	s7 =	sld [smem:$0x3FB4]  }
0x2d: {  	s3 =	simm.s32 $0x108;
	s8 =	sld [smem:$0x3FB5]  }
0x2e: {  	s3 =	simm.s32 @!p0 $0x1082;
	s9 =	sld [smem:$0x3FB6]  }
0x2f: {  	lr =	sadd.s32 s0, s3;
	s0 =	sld [smem:$0x3FAD]  }
0x30: {  	s3 =	sld [smem:$0x3FB0]  }
0x31: {  	[smem:$0x3FB9] =	sst s10  }
0x32: {  	s10 =	sld [smem:$0x3FB7];
	_ =	sdelay $0x3  }
0x33: {  	p0 =	seq.s32 s10, $0x1;
	s10 =	sld [smem:$0x3FB9];
	_ =	sdelay $0x3  }
0x34: {  	[smem:$0x3FB9] =	sst s10  }
0x35: {  	s10 =	sld [smem:$0x3FB8];
	_ =	sdelay $0x3  }
0x36: {  	p1 =	seq.s32 s10, $0x1;
	s10 =	sld [smem:$0x3FB9];
	_ =	sdelay $0x3  }
0x37: {  	[smem:$0x3FB9] =	sst s10  }
0x38: {  	s10 =	sld [smem:$0x3FBA]  }
0x39: {  	_ = 	snop;
	(pc) =	sbr.ind lr, $3  }
0x3a: {  	_ = 	snop  }
0x3b: {  	_ = 	snop  }
0x3c: {  	p2 =	seq.s32 s10, $0x1;
	s10 =	sld [smem:$0x3FB9]  }
0x3d: {  	_ =	shalt  }
0x3e: {  	_ =	shalt  }
0x3f: {  	_ =	shalt  }
0x40: {  	_ =	shalt  }
0x41: {  	_ =	shalt  }
0x42: {  	_ =	shalt  }
0x43: {  	_ =	shalt  }
0x44: {  	_ =	shalt  }
0x45: {  	_ =	shalt  }
0x46: {  	_ =	shalt  }
0x47: {  	_ =	shalt  }
0x48: {  	_ =	shalt  }
0x49: {  	_ =	shalt  }
0x4a: {  	_ =	shalt  }
0x4b: {  	_ =	shalt  }
0x4c: {  	_ =	shalt  }
0x4d: {  	_ =	shalt  }
0x4e: {  	_ =	shalt  }
0x4f: {  	_ =	shalt  }
0x50: {  	_ =	shalt  }
0x51: {  	_ =	shalt  }
0x52: {  	_ =	shalt  }
0x53: {  	_ =	shalt  }
0x54: {  	_ =	shalt  }
0x55: {  	_ =	shalt  }
0x56: {  	_ =	shalt  }
0x57: {  	_ =	shalt  }
0x58: {  	_ =	shalt  }
0x59: {  	_ =	shalt  }
0x5a: {  	_ =	shalt  }
0x5b: {  	_ =	shalt  }
0x5c: {  	_ =	shalt  }
0x5d: {  	_ =	shalt  }
0x5e: {  	_ =	shalt  }
0x5f: {  	_ =	shalt  }
0x60: {  	_ =	shalt  }
0x61: {  	_ =	shalt  }
0x62: {  	_ =	shalt  }
0x63: {  	_ =	shalt  }
0x64: {  	_ =	shalt  }
0x65: {  	_ =	shalt  }
0x66: {  	_ =	shalt  }
0x67: {  	_ =	shalt  }
0x68: {  	_ =	shalt  }
0x69: {  	_ =	shalt  }
0x6a: {  	_ =	shalt  }
0x6b: {  	_ =	shalt  }
0x6c: {  	_ =	shalt  }
0x6d: {  	_ =	shalt  }
0x6e: {  	_ =	shalt  }
0x6f: {  	_ =	shalt  }
0x70: {  	_ =	shalt  }
0x71: {  	_ =	shalt  }
0x72: {  	_ =	shalt  }
0x73: {  	_ =	shalt  }
0x74: {  	_ =	shalt  }
0x75: {  	_ =	shalt  }
0x76: {  	_ =	shalt  }
0x77: {  	_ =	shalt  }
0x78: {  	_ =	shalt  }
0x79: {  	_ =	shalt  }
0x7a: {  	_ =	shalt  }
0x7b: {  	_ =	shalt  }
0x7c: {  	_ =	shalt  }
0x7d: {  	_ =	shalt  }
0x7e: {  	_ =	shalt  }
0x7f: {  	_ =	shalt  }
0x80: {  	_ =	shalt  }
0x81: {  	_ =	shalt  }
0x82: {  	_ =	shalt  }
0x83: {  	_ =	shalt  }
0x84: {  	_ =	shalt  }
0x85: {  	_ =	shalt  }
0x86: {  	_ =	shalt  }
0x87: {  	_ =	shalt  }
.Lfunc_end0:
.L_simem_size_0:
called_computation_lowered:
.L_overlay_start_0:
0x88: {  	s2 =	sld [smem:$0x3FD9]  }
0x89: {  	s3 =	sld [smem:$0x3FFE];
	_ =	sdelay $0x1  }
0x8a: {  	s1 =	srdreg.scid  }
0x8b: {  	s0 =	sand.u32 $0x1, s1  }
0x8c: {  	s17 =	sshll.u32 s0, $0xA;
	s2 =	sadd.s32 s3, s2  }
0x8d: {  	s2 =	sadd.s32 s2, s17  }
0x8e: {  	[smem:$0x3FC5] =	sst s2  }
0x8f: {  	_ = 	snop  }
0x90: {  	s2 =	sld [smem:$0x3FC7]  }
0x91: {  	s18 =	sld [smem:$0x3FD0];
	(tm) =	ssettm $0x1  }
0x92: {  	s4 =	sld [smem:$0x3FFB];
	_ =	sdelay $0x3  }
0x93: {  	_ =	strace s4  }
0x94: {  	s4 =	sld [smem:$0x3FFC];
	_ =	sdelay $0x3  }
0x95: {  	_ =	strace s4  }
0x96: {  	s4 =	sld [smem:$0x3FFD];
	_ =	sdelay $0x3  }
0x97: {  	_ =	strace s4  }
0x98: {  	_ =	strace $0x8FFFFFFF  }
0x99: {  	s19 =	sld [smem:$0x3FDB];
	_ =	sdelay $0x1  }
0x9a: {  	s5 =	simm.s32 $_scs_section_size  }
0x9b: {  	s6 =	simm.s32 $_size__tile_overlayer_lowered;
	s7 =	simm.s32 $_tile_overlayer_lowered  }
0x9c: {  	s22 =	simm.s32 $0x1BFF;
	s21 =	sshll.u32 s7, $0x1;
	s4 =	sadd.s32 s5, s19  }
0x9d: {  	s8 =	simm.s32 $0x0;
	s20 =	sshll.u32 s6, $0x1;
	s6 =	sadd.s32 s21, s4  }
0x9e: {  	[timem:s8], [sflag:s22] =	dma.local [hbm:s6], s20  }
0x9f: {  	_ =	swait.ge [sflag:s22], s20  }
0xa0: {  	s5 =	ssub.s32 $0x0, s20;
	[sflag:s22] =	ssyncset.done $0x0  }
0xa1: {  	[sflag:s22] =	ssyncadd.s32 s5;
	_ =	sdelay $0x1  }
0xa2: {  	s23 =	simm.s32 $0x1B8B  }
0xa3: {  	_ =	swait.ge [sflag:s23], $0x1  }
0xa4: {  	[sflag:s23] =	ssyncset.done $0x0  }
0xa5: {  	s25 =	simm.s32 $0x1B8E;
	s24 =	sld [smem:$0x3FFE];
	[sflag:s23] =	ssyncadd.s32 $0xFFFFFFFF  }
0xa6: {  	s26 =	simm.s32 $execute0_lowered;
	[smem:$0x3FD2] =	sst s25  }
0xa7: {  	s6 =	sshll.u32 s26, $0x1;
	_ =	strace $0x80000046;
	[dreg:$0x1] =	wrdreg $0xFFFFFFFF  }
0xa8: {  	s28 =	simm.s32 $_size_execute0_lowered;
	s4 =	sadd.s32 s4, s6;
	[dreg:$0x0] =	wrdreg $0x0  }
0xa9: {  	s6 =	sshll.u32 s28, $0x1;
	[dreg:$0x2] =	wrdreg s4  }
0xaa: {  	[dreg:$0x3] =	wrdreg s6  }
0xab: {  	[dreg:$0x4] =	wrdreg $0xC0  }
0xac: {  	_ =	task [dreg:s8], $0x5FFFF  }
0xad: {  	[dreg:$0x1] =	wrdreg $0xFFFFFFFF  }
0xae: {  	[dreg:$0x0] =	wrdreg $0x60  }
0xaf: {  	[dreg:$0x2] =	wrdreg s18  }
0xb0: {  	[dreg:$0x3] =	wrdreg s2  }
0xb1: {  	[dreg:$0x4] =	wrdreg s24  }
0xb2: {  	[dreg:$0x5] =	wrdreg $0x9  }
0xb3: {  	_ =	task.clear_ibuf [dreg:s8], $0x6FFFF;
	_ =	strace $0x90000046  }
0xb4: {  	s29 =	simm.s32 $0x9;
	_ =	strace $0x80000048  }
0xb5: {  	_ =	swait.ge [sflag:s29], $0x1  }
0xb6: {  	[sflag:s29] =	ssyncadd.s32 $0xFFFFFFFF  }
0xb7: {  	_ =	strace $0x90000048  }
0xb8: {  	_ =	sfence  }
0xb9: {  	s30 =	sld [smem:$0x0];
	_ =	sdelay $0x2  }
0xba: {  	s31 =	sshll.u32 s1, $0xD;
	s1 =	sshrl.u32 s1, $0x2  }
0xbb: {  	s3 =	sand.u32 $0x4000, s31;
	s1 =	sadd.s32 s1, s30  }
0xbc: {  	s0 =	sor.u32 s3, s0;
	s1 =	sshll.u32 s1, $0x11  }
0xbd: {  	s0 =	sor.u32 s1, s0  }
0xbe: {  	s0 =	sadd.s32 $0x8F2B, s0  }
0xbf: {  	[sflag:s0] =	ssyncadd.remote.s32 $0x1  }
0xc0: {  	_ =	sfence.sel $0xFFFF  }
0xc1: {  	[dreg:$0x0] =	wrdreg $0xFFFFFFFF;
	(pc) =	sbr.abs _section_cstart, $3  }
0xc2: {  	[dreg:$0x1] =	wrdreg $0xFFFFFFFF  }
0xc3: {  	_ =	task.clear_ibuf [dreg:s8], $0x2FFFF;
	_ =	strace $0x9FFFFFFF  }
0xc4: {  	(tm) =	ssettm $0x7FFFFFFF  }
0xc5: {  	_ =	shalt  }
tec
execute0_lowered:
.L_overlay_start_1:
0x0: {  	(tag) =	ssettag $0x1  }
0x1: {  	s0 =	srdreg.scid  }
0x2: {  	s12 =	sand.u32 $0x1, s0;
	s0 =	stileid.u32  }
0x3: {  	s4 =	sshll.u32 s0, $0x1;
	s5 =	ssub.s32 $0x0, s12  }
0x4: {  	p0 =	sne.s32 s4, s5  }
.Ltmp0:
0x5: {  	_ = 	snop;
	(pc) =	sbr.rel @p0 .LBB2_4-.Ltmp0, $4  }
0x6: {  	s2 =	rddreg [dreg:$0x0]  }
0x7: {  	s3 =	rddreg [dreg:$0x1]  }
0x8: {  	s13 =	rddreg [dreg:$0x2]  }
0x9: {  	s1 =	rddreg [dreg:$0x3];
	_ =	strace $0x80000047  }
0xa: {  	s4 =	sadd.s32 $0x201400, s13;
	s6 =	simm.s32 $0x0;
	s5 =	simm.s32 $0x2  }
0xb: {  	[tilespmem:s6], [sflag:$0x2] =	stream.linear.gather [hbm4b:s4+s6], $0x80, $0x38;
	[tilespmem:$0x8100] =	vst v63  }
0xc: {  	_ =	swait.ge [sflag:s5], $0x80  }
0xd: {  	s7 =	simm.s32 $0x80;
	[sflag:s5] =	ssyncset.done $0x0  }
0xe: {  	s8 =	simm.s32 $0x100;
	s9 =	simm.s32 $0x1;
	[sflag:s5] =	ssyncadd.s32 $0xFFFFFF80  }
0xf: {  	[tilespmem:s8], [sflag:$0x1] =	stream.indirect.gather [hbm4b:s2+s7], $0x80, s6, s7, $0xb8;
	[tilespmem:$0x8100] =	vst v63  }
0x10: {  	_ =	swait.ge [sflag:s9], $0x4000  }
0x11: {  	[sflag:s9] =	ssyncset.done $0x0  }
0x12: {  	s10 =	sadd.s32 $0x201600, s13;
	[sflag:s9] =	ssyncadd.s32 $0xFFFFC000  }
0x13: {  	[hbm4b:s10+s6] =	stream.linear.scatter [tilespmem:s8], [sflag:$0x2], $0x4000, $0x38;
	[tilespmem:$0x8100] =	vst v63  }
0x14: {  	_ =	swait.ge [sflag:s5], $0x4000  }
0x15: {  	[sflag:s5] =	ssyncset.done $0x0  }
0x16: {  	s11 =	sadd.s32 $0x201200, s13;
	s14 =	ssub.s32 $0x2, s12;
	[sflag:s5] =	ssyncadd.s32 $0xFFFFC000  }
0x17: {  	[tilespmem:s7], [sflag:$0x2] =	stream.linear.gather [hbm4b:s11+s6], $0x80, $0x38;
	[tilespmem:$0x8100] =	vst v63  }
0x18: {  	s15 =	sshrl.u32 s14, $0x1;
	_ =	swait.ge [sflag:s5], $0x80  }
0x19: {  	s14 =	ssub.s32 s14, s15;
	[sflag:s5] =	ssyncset.done $0x0  }
0x1a: {  	s12 =	simm.s32 $0x4100;
	s14 =	smax.u32 s14, $0x1;
	[sflag:s5] =	ssyncadd.s32 $0xFFFFFF80  }
0x1b: {  	[tilespmem:s12], [sflag:$0x1] =	stream.indirect.gather [hbm4b:s3+s7], $0x80, s7, s7, $0xb8;
	[tilespmem:$0x8100] =	vst v63  }
0x1c: {  	p0 =	sne.s32 s14, $0x1;
	_ =	swait.ge [sflag:s9], $0x4000  }
.Ltmp1:
0x1d: {  	[sflag:s9] =	ssyncset.done $0x0;
	(pc) =	sbr.rel @!p0 .LBB2_3-.Ltmp1, $4  }
0x1e: {  	s13 =	sadd.s32 $0x201E00, s13;
	[sflag:s9] =	ssyncadd.s32 $0xFFFFC000  }
0x1f: {  	[hbm4b:s13+s6] =	stream.linear.scatter [tilespmem:s12], [sflag:$0x2], $0x4000, $0x38;
	[tilespmem:$0x8100] =	vst v63  }
0x20: {  	_ =	swait.ge [sflag:s5], $0x4000  }
0x21: {  	s14 =	sadd.s32 $0xFFFFFFFF, s14;
	[sflag:s5] =	ssyncset.done $0x0  }
.LBB2_2:
0x22: {  	p0 =	sne.s32 s14, $0x1;
	s14 =	sadd.s32 $0xFFFFFFFF, s14;
	[sflag:s5] =	ssyncadd.s32 $0xFFFFC000  }
0x23: {  	[tilespmem:s6], [sflag:$0x2] =	stream.linear.gather [hbm4b:s4+s6], $0x80, $0x38;
	[tilespmem:$0x8100] =	vst v63  }
0x24: {  	_ =	swait.ge [sflag:s5], $0x80  }
0x25: {  	[sflag:s5] =	ssyncset.done $0x0  }
0x26: {  	[sflag:s5] =	ssyncadd.s32 $0xFFFFFF80  }
0x27: {  	[tilespmem:s8], [sflag:$0x1] =	stream.indirect.gather [hbm4b:s2+s7], $0x80, s6, s7, $0xb8;
	[tilespmem:$0x8100] =	vst v63  }
0x28: {  	_ =	swait.ge [sflag:s9], $0x4000  }
0x29: {  	[sflag:s9] =	ssyncset.done $0x0  }
0x2a: {  	[sflag:s9] =	ssyncadd.s32 $0xFFFFC000  }
0x2b: {  	[hbm4b:s10+s6] =	stream.linear.scatter [tilespmem:s8], [sflag:$0x2], $0x4000, $0x38;
	[tilespmem:$0x8100] =	vst v63  }
0x2c: {  	_ =	swait.ge [sflag:s5], $0x4000  }
0x2d: {  	[sflag:s5] =	ssyncset.done $0x0  }
0x2e: {  	[sflag:s5] =	ssyncadd.s32 $0xFFFFC000  }
0x2f: {  	[tilespmem:s7], [sflag:$0x2] =	stream.linear.gather [hbm4b:s11+s6], $0x80, $0x38;
	[tilespmem:$0x8100] =	vst v63  }
0x30: {  	_ =	swait.ge [sflag:s5], $0x80  }
0x31: {  	[sflag:s5] =	ssyncset.done $0x0  }
0x32: {  	[sflag:s5] =	ssyncadd.s32 $0xFFFFFF80  }
0x33: {  	[tilespmem:s12], [sflag:$0x1] =	stream.indirect.gather [hbm4b:s3+s7], $0x80, s7, s7, $0xb8;
	[tilespmem:$0x8100] =	vst v63  }
0x34: {  	_ =	swait.ge [sflag:s9], $0x4000  }
.Ltmp2:
0x35: {  	[sflag:s9] =	ssyncset.done $0x0;
	(pc) =	sbr.rel @p0 .LBB2_2-.Ltmp2, $4  }
0x36: {  	[sflag:s9] =	ssyncadd.s32 $0xFFFFC000  }
0x37: {  	[hbm4b:s13+s6] =	stream.linear.scatter [tilespmem:s12], [sflag:$0x2], $0x4000, $0x38;
	[tilespmem:$0x8100] =	vst v63  }
0x38: {  	_ =	swait.ge [sflag:s5], $0x4000  }
0x39: {  	[sflag:s5] =	ssyncset.done $0x0  }
.LBB2_3:
0x3a: {  	[sflag:s5] =	ssyncadd.s32 $0xFFFFC000  }
.LBB2_4:
0x3b: {  	_ =	sfence.sel $0x180000  }
0x3c: {  	[bflag:$0x0] =	sbarrier.arrive $0xFFFF  }
0x3d: {  	p0 =	sne.s32 s0, $0x0;
	_ =	strace $0x90000047  }
0x3e: {  	s0 =	sadd.s32 @!p0 $0x100000, s1;
	[bflag:$0x2] =	sbarrier.arrive $0xFFFF  }
0x3f: {  	[sflag:s0] =	ssyncadd.tile.s32 @!p0 $0x1;
	_ =	shalt  }
.Lfunc_end2:
_tile_overlayer_lowered:
.L_overlay_start_2:
0x40: {  	(tag) =	ssettag $0x2  }
0x41: {  	s0 =	rddreg [dreg:$0x0];
	s2 =	stileid.u32  }
0x42: {  	s1 =	rddreg [dreg:$0x1];
	p0 =	sne.s32 s2, $0x0  }
0x43: {  	s3 =	rddreg [dreg:$0x2];
	[bflag:$0x3] =	sbarrier.arrive $0xFFFF;
	s2 =	simm.s32 @!p0 $0x1C02  }
0x44: {  	[timem:s3], [sflag:s2] =	dma.local @!p0 [hbm:s0], s1  }
0x45: {  	s0 =	simm.s32 @!p0 $0x2  }
0x46: {  	_ =	swait.ge @!p0 [sflag:s0], s1  }
0x47: {  	s1 =	ssub.s32 @!p0 $0x0, s1;
	[sflag:s0] =	ssyncset.done @!p0 $0x0  }
0x48: {  	[sflag:s0] =	ssyncadd.s32 @!p0 s1  }
0x49: {  	[bflag:$0x3] =	sbarrier.arrive $0xFFFF  }
0x4a: {  	_ =	shalt  }

</sc_bundles>
